<compile_context>
chip_gen: v7x
topology: tpu7x:2x2x1
jax: 0.10.2.dev20260603
libtpu: 0.0.44.dev20260713+nightly
codegen_flags: <defaults>
</compile_context>

<pallas_src>
import functools

import jax
import jax.numpy as jnp
from jax import lax
from jax.experimental import pallas as pl
from jax.experimental.pallas import tpu as pltpu
from jax.experimental.pallas import tpu_sc as plsc

E = 64
CAP = 128
H = 1024
F = 512
T = 2048
GRP = 32
NG = (T + E * (GRP - 1)) // GRP
NGPAD = 128
DROP = NG * GRP
CBUF_ROWS = (NG + 1) * GRP

NC = 2
NS = 16
NW = NC * NS
L = 16
TPW = T // NW


def _router_body(x_ref, gw_ref, gb_ref, slot_ref, wk_ref, ge_ref):
    x = x_ref[...]
    gw = gw_ref[...]
    logits = jnp.dot(x, gw, preferred_element_type=jnp.float32) + gb_ref[...]
    lmax = jnp.max(logits, axis=1, keepdims=True)
    sumexp = jnp.sum(jnp.exp(logits - lmax), axis=1, keepdims=True)
    p = 1.0 / sumexp
    ids = lax.broadcasted_iota(jnp.int32, (T, E), 1)
    eid = jnp.min(jnp.where(logits == lmax, ids, E), axis=1, keepdims=True)
    oh = (ids == eid).astype(jnp.int32)
    cs = oh
    shift = 1
    while shift < T:
        cs = cs + jnp.concatenate(
            [jnp.zeros((shift, E), jnp.int32), cs[: T - shift]], axis=0)
        shift *= 2
    pos = jnp.sum(cs * oh, axis=1, keepdims=True) - 1
    keep = pos < CAP

    cnt = cs[T - 1:T, :]
    grp_row = (jnp.minimum(cnt, CAP) + GRP - 1) // GRP
    gcum = grp_row
    shift = 1
    while shift < E:
        gcum = gcum + jnp.concatenate(
            [jnp.zeros((1, shift), jnp.int32), gcum[:, : E - shift]], axis=1)
        shift *= 2
    gbase_row = gcum - grp_row
    rbase_t = jnp.sum(oh * (gbase_row * GRP), axis=1, keepdims=True)
    slot_ref[...] = jnp.where(keep, rbase_t + pos, DROP)
    wk_ref[...] = jnp.where(keep, p, 0.0)
    gcol = lax.broadcasted_iota(jnp.int32, (NGPAD, E), 0)
    ge_ref[...] = jnp.sum((gbase_row <= gcol).astype(jnp.int32),
                          axis=1, keepdims=True) - 1


_router_call = pl.pallas_call(
    _router_body,
    out_shape=(
        jax.ShapeDtypeStruct((T, 1), jnp.int32),
        jax.ShapeDtypeStruct((T, 1), jnp.float32),
        jax.ShapeDtypeStruct((NGPAD, 1), jnp.int32),
    ),
)


def _dispatch_body(x_hbm, slot_hbm, wk_hbm, buf_hbm, wbuf_hbm,
                   idx_v, rows_v, w_v, wrep_v, sem):
    wid = lax.axis_index("s") * NC + lax.axis_index("c")
    base = wid * TPW
    pltpu.sync_copy(slot_hbm.at[pl.ds(base, TPW)], idx_v)
    pltpu.sync_copy(x_hbm.at[pl.ds(base, TPW)], rows_v)
    pltpu.sync_copy(wk_hbm.at[pl.ds(base, TPW)], w_v)
    copy = pltpu.async_copy(rows_v, buf_hbm.at[idx_v], sem)
    for g in range(TPW // L):
        wreg = w_v[pl.ds(g * L, L)]
        for k in range(L):
            wrep_v[g * L + k, pl.ds(0, L)] = jnp.full((L,), wreg[k], jnp.float32)
    copy.wait()
    pltpu.async_copy(wrep_v, wbuf_hbm.at[idx_v], sem).wait()


@functools.cache
def _sc_kernels():
    mesh = plsc.VectorSubcoreMesh(
        core_axis_name="c", subcore_axis_name="s", num_cores=NC, num_subcores=NS)
    dispatch = pl.kernel(
        _dispatch_body,
        out_type=(
            jax.ShapeDtypeStruct((CBUF_ROWS, H), jnp.float32),
            jax.ShapeDtypeStruct((CBUF_ROWS, 128), jnp.float32),
        ),
        mesh=mesh,
        scratch_types=[
            pltpu.VMEM((TPW,), jnp.int32),
            pltpu.VMEM((TPW, H), jnp.float32),
            pltpu.VMEM((TPW,), jnp.float32),
            pltpu.VMEM((TPW, 128), jnp.float32),
            pltpu.SemaphoreType.DMA,
        ],
    )
    combine = pl.kernel(
        _combine_body,
        out_type=jax.ShapeDtypeStruct((T, H), jnp.float32),
        mesh=mesh,
        scratch_types=[
            pltpu.VMEM((TPW,), jnp.int32),
            pltpu.VMEM((TPW, H), jnp.float32),
            pltpu.SemaphoreType.DMA,
        ],
    )
    return dispatch, combine


def _ffn_body(ge_ref, xb_ref, wb_ref, gpw_ref, gpb_ref, upw_ref, upb_ref,
              dw_ref, db_ref, out_ref):
    g = pl.program_id(0)

    @pl.when(g < NG)
    def _compute():
        xb = xb_ref[...]
        gg = jnp.dot(xb, gpw_ref[0], preferred_element_type=jnp.float32) + gpb_ref[0]
        u = jnp.dot(xb, upw_ref[0], preferred_element_type=jnp.float32) + upb_ref[0]
        inter = gg * (1.0 / (1.0 + jnp.exp(-gg))) * u
        o = jnp.dot(inter, dw_ref[0], preferred_element_type=jnp.float32) + db_ref[0]
        out_ref[...] = o * wb_ref[...][:, 0:1]

    @pl.when(g == NG)
    def _zero_drop_bin():
        out_ref[...] = jnp.zeros((GRP, H), jnp.float32)


_ffn_call = pl.pallas_call(
    _ffn_body,
    grid_spec=pltpu.PrefetchScalarGridSpec(
        num_scalar_prefetch=1,
        grid=(NG + 1,),
        in_specs=[
            pl.BlockSpec((GRP, H), lambda g, ge: (g, 0)),
            pl.BlockSpec((GRP, 128), lambda g, ge: (g, 0)),
            pl.BlockSpec((1, H, F), lambda g, ge: (ge[g], 0, 0)),
            pl.BlockSpec((1, 1, F), lambda g, ge: (ge[g], 0, 0)),
            pl.BlockSpec((1, H, F), lambda g, ge: (ge[g], 0, 0)),
            pl.BlockSpec((1, 1, F), lambda g, ge: (ge[g], 0, 0)),
            pl.BlockSpec((1, F, H), lambda g, ge: (ge[g], 0, 0)),
            pl.BlockSpec((1, 1, H), lambda g, ge: (ge[g], 0, 0)),
        ],
        out_specs=pl.BlockSpec((GRP, H), lambda g, ge: (g, 0)),
    ),
    out_shape=jax.ShapeDtypeStruct((CBUF_ROWS, H), jnp.float32),
    compiler_params=pltpu.CompilerParams(
        dimension_semantics=("arbitrary",)),
)


def _combine_body(oute_hbm, slot_hbm, final_hbm, idx_v, rows_v, sem):
    wid = lax.axis_index("s") * NC + lax.axis_index("c")
    base = wid * TPW
    pltpu.sync_copy(slot_hbm.at[pl.ds(base, TPW)], idx_v)
    pltpu.async_copy(oute_hbm.at[idx_v], rows_v, sem).wait()
    pltpu.sync_copy(rows_v, final_hbm.at[pl.ds(base, TPW)])


def kernel(hidden_states, gate_w, gate_b, up_w, up_b, gp_w, gp_b, down_w, down_b):
    b, s, h = hidden_states.shape
    x = hidden_states.reshape(T, H)
    dispatch, combine = _sc_kernels()
    slot, wk, ge = _router_call(x, gate_w, gate_b.reshape(1, E))
    buf, wbuf = dispatch(x, slot.reshape(T), wk.reshape(T))
    oute = _ffn_call(
        ge.reshape(NGPAD),
        buf, wbuf,
        gp_w, gp_b.reshape(E, 1, F),
        up_w, up_b.reshape(E, 1, F),
        down_w, down_b.reshape(E, 1, H),
    )
    final = combine(oute, slot.reshape(T))
    return final.reshape(b, s, h)

# --- scband reference (transcript-rebuilt; emitter-appended) ---
"""Pipeline reference for scband-simple-moe-block-27367531610987 (READ-ONLY COPY).

The authoritative reference and input builder live on the scoring server;
editing this copy changes nothing except your own understanding.
"""

import jax, jax.numpy as jnp
import numpy as np

E = 64
TOP_K = 1
CAP = 128
H = 1024
F = 512
B, S = 1, 2048


def setup_inputs(seed: int = 0):
    key = jax.random.key(seed)
    ks = jax.random.split(key, 10)
    hidden_states = jax.random.normal(ks[0], (B, S, H), dtype=jnp.float32)
    gate_w = jax.random.normal(ks[1], (H, E), dtype=jnp.float32) * 0.02
    gate_b = jnp.zeros((E,), dtype=jnp.float32)
    up_w = jax.random.normal(ks[2], (E, H, F), dtype=jnp.float32) * 0.02
    up_b = jnp.zeros((E, F), dtype=jnp.float32)
    gp_w = jax.random.normal(ks[3], (E, H, F), dtype=jnp.float32) * 0.02
    gp_b = jnp.zeros((E, F), dtype=jnp.float32)
    down_w = jax.random.normal(ks[4], (E, F, H), dtype=jnp.float32) * 0.02
    down_b = jnp.zeros((E, H), dtype=jnp.float32)
    return {"hidden_states": hidden_states, "gate_w": gate_w, "gate_b": gate_b,
            "up_w": up_w, "up_b": up_b, "gp_w": gp_w, "gp_b": gp_b,
            "down_w": down_w, "down_b": down_b}


def _moe_forward(hidden_states, gate_w, gate_b, up_w, up_b, gp_w, gp_b, down_w, down_b):
    b, s, h = hidden_states.shape
    T = b * s
    x = hidden_states.reshape(T, h)
    # router: linear -> softmax -> top-k (matches torch: softmax then topk)
    logits = x @ gate_w + gate_b
    probs = jax.nn.softmax(logits, axis=-1)
    router_weights, sel = jax.lax.top_k(probs, TOP_K)  # [T, K]
    flat_sel = sel.reshape(-1)           # [T*K] expert id per (token, k) pair
    flat_w = router_weights.reshape(-1)  # [T*K]
    token_idx = jnp.repeat(jnp.arange(T), TOP_K)  # [T*K]
    # position of each pair within its expert's capacity buffer
    onehot = jax.nn.one_hot(flat_sel, E, dtype=jnp.int32)  # [T*K, E]
    pos = jnp.cumsum(onehot, axis=0) * onehot
    pos_in_expert = jnp.sum(pos, axis=1) - 1  # [T*K]
    keep = pos_in_expert < CAP
    slot = jnp.where(keep, flat_sel * CAP + pos_in_expert, E * CAP)  # overflow -> dummy slot
    # dispatch: scatter tokens into [E*CAP] slots (slot E*CAP is a discard bin)
    buf = jnp.zeros((E * CAP + 1, h), dtype=x.dtype).at[slot].set(x[token_idx])
    expert_in = buf[:E * CAP].reshape(E, CAP, h)
    # expert FFN: down(silu(gate(x)) * up(x)) per expert, batched over experts
    g = jnp.einsum('ech,ehf->ecf', expert_in, gp_w) + gp_b[:, None, :]
    u = jnp.einsum('ech,ehf->ecf', expert_in, up_w) + up_b[:, None, :]
    inter = jax.nn.silu(g) * u
    out_e = jnp.einsum('ecf,efh->ech', inter, down_w) + down_b[:, None, :]
    out_flat = jnp.concatenate([out_e.reshape(E * CAP, h),
                                jnp.zeros((1, h), dtype=x.dtype)], axis=0)
    # combine: gather each pair's expert output, scale by router weight, scatter-add to tokens
    gathered = out_flat[slot]  # [T*K, h]
    contrib = gathered * (flat_w * keep.astype(x.dtype))[:, None]
    final = jnp.zeros((T, h), dtype=x.dtype).at[token_idx].add(contrib)
    return final.reshape(b, s, h)


def reference(hidden_states, gate_w, gate_b, up_w, up_b, gp_w, gp_b, down_w, down_b):
    return _moe_forward(hidden_states, gate_w, gate_b, up_w, up_b, gp_w, gp_b, down_w, down_b)

if __name__ == "__main__":
    import jax
    _d = setup_inputs()
    print(jax.jit(kernel)(*tuple(_d.values())))

</pallas_src>

<mosaic_0001>
#map = affine_map<(d0, d1) -> (0, 0)>
#map1 = affine_map<(d0, d1) -> (0)>
module attributes {stable_mosaic.version = 14 : i64} {
  func.func @_combine_body(%arg0: i32, %arg1: i32, %arg2: memref<4064x1024xf32, #tpu.memory_space<hbm>>, %arg3: memref<2048xi32, #tpu.memory_space<hbm>>, %arg4: memref<2048x1024xf32, #tpu.memory_space<hbm>>, %arg5: memref<64xi32, #tpu.memory_space<vmem>>, %arg6: memref<64x1024xf32, #tpu.memory_space<vmem>>, %arg7: memref<!tpu.dma_semaphore, #tpu.memory_space<semaphore_mem>>) attributes {dimension_semantics = [#tpu.dimension_semantics<core_parallel>, #tpu.dimension_semantics<subcore_parallel>], iteration_bounds = array<i64: 2, 16>, scalar_prefetch = 0 : i64, scratch_operands = 3 : i64, tpu.core_type = #tpu.core_type<sc_vector_subcore>, window_params = [{transform_indices = #map}, {transform_indices = #map1}, {transform_indices = #map}]} {
    %mul3A = arith.constant 2 : i32
    %mul3A_0 = arith.muli %arg1, %mul3A : i32
    %add3A = arith.addi %mul3A_0, %arg0 : i32
    %mul3A_1 = arith.constant 64 : i32
    %mul3A_2 = arith.muli %add3A, %mul3A_1 : i32
    "tpu.region"() ({
      %run_scoped3A = tpu.sem_alloc : memref<!tpu.dma_semaphore, #tpu.memory_space<semaphore_mem>>
      %dma_start3A_7 = tpu.memref_slice %arg3[%mul3A_2] : memref<2048xi32, #tpu.memory_space<hbm>> -> memref<64xi32, #tpu.memory_space<hbm>>
      %dma_start3A_8 = tpu.memref_slice %arg3[%mul3A_2] : memref<2048xi32, #tpu.memory_space<hbm>> -> memref<64xi32, #tpu.memory_space<hbm>>
      tpu.enqueue_dma source(%dma_start3A_8 : memref<64xi32, #tpu.memory_space<hbm>>) target(%arg5 : memref<64xi32, #tpu.memory_space<vmem>>) target_semaphore(%run_scoped3A : memref<!tpu.dma_semaphore, #tpu.memory_space<semaphore_mem>>)
      %dma_wait3A_9 = tpu.memref_slice %arg3[%mul3A_2] : memref<2048xi32, #tpu.memory_space<hbm>> -> memref<64xi32, #tpu.memory_space<hbm>>
      %dma_wait3A_10 = tpu.memref_slice %arg3[%mul3A_2] : memref<2048xi32, #tpu.memory_space<hbm>> -> memref<64xi32, #tpu.memory_space<hbm>>
      tpu.wait_dma2 semaphore(%run_scoped3A : memref<!tpu.dma_semaphore, #tpu.memory_space<semaphore_mem>>) src(%dma_wait3A_10 : memref<64xi32, #tpu.memory_space<hbm>>) dst(%arg5 : memref<64xi32, #tpu.memory_space<vmem>>)
      tpu.yield
    }) : () -> ()
    %dma_start3A = arith.constant 0 : i32
    %dma_start3A_3 = arith.constant 0 : i32
    %dma_start3A_4 = tpu.memref_slice %arg2[%dma_start3A, %dma_start3A_3] : memref<4064x1024xf32, #tpu.memory_space<hbm>> -> memref<4064x1024xf32, #tpu.memory_space<hbm>>
    tpu.enqueue_indirect_dma source(%dma_start3A_4 : memref<4064x1024xf32, #tpu.memory_space<hbm>>) target(%arg6 : memref<64x1024xf32, #tpu.memory_space<vmem>>) offsets(%arg5 : memref<64xi32, #tpu.memory_space<vmem>>) semaphore(%arg7 : memref<!tpu.dma_semaphore, #tpu.memory_space<semaphore_mem>>)
    %dma_wait3A = arith.constant 0 : i32
    %dma_wait3A_5 = arith.constant 0 : i32
    %dma_wait3A_6 = tpu.memref_slice %arg2[%dma_wait3A, %dma_wait3A_5] : memref<4064x1024xf32, #tpu.memory_space<hbm>> -> memref<4064x1024xf32, #tpu.memory_space<hbm>>
    tpu.wait_indirect_dma semaphore(%arg7 : memref<!tpu.dma_semaphore, #tpu.memory_space<semaphore_mem>>) src(%dma_wait3A_6 : memref<4064x1024xf32, #tpu.memory_space<hbm>>) dst(%arg6 : memref<64x1024xf32, #tpu.memory_space<vmem>>)
    "tpu.region"() ({
      %run_scoped3A = tpu.sem_alloc : memref<!tpu.dma_semaphore, #tpu.memory_space<semaphore_mem>>
      %dma_start3A_7 = arith.constant 0 : i32
      %dma_start3A_8 = tpu.memref_slice %arg4[%mul3A_2, %dma_start3A_7] : memref<2048x1024xf32, #tpu.memory_space<hbm>> -> memref<64x1024xf32, #tpu.memory_space<hbm>>
      %dma_start3A_9 = arith.constant 0 : i32
      %dma_start3A_10 = tpu.memref_slice %arg4[%mul3A_2, %dma_start3A_9] : memref<2048x1024xf32, #tpu.memory_space<hbm>> -> memref<64x1024xf32, #tpu.memory_space<hbm>>
      tpu.enqueue_dma source(%arg6 : memref<64x1024xf32, #tpu.memory_space<vmem>>) target(%dma_start3A_10 : memref<64x1024xf32, #tpu.memory_space<hbm>>) target_semaphore(%run_scoped3A : memref<!tpu.dma_semaphore, #tpu.memory_space<semaphore_mem>>)
      %dma_wait3A_11 = arith.constant 0 : i32
      %dma_wait3A_12 = tpu.memref_slice %arg4[%mul3A_2, %dma_wait3A_11] : memref<2048x1024xf32, #tpu.memory_space<hbm>> -> memref<64x1024xf32, #tpu.memory_space<hbm>>
      %dma_wait3A_13 = arith.constant 0 : i32
      %dma_wait3A_14 = tpu.memref_slice %arg4[%mul3A_2, %dma_wait3A_13] : memref<2048x1024xf32, #tpu.memory_space<hbm>> -> memref<64x1024xf32, #tpu.memory_space<hbm>>
      tpu.wait_dma2 semaphore(%run_scoped3A : memref<!tpu.dma_semaphore, #tpu.memory_space<semaphore_mem>>) src(%arg6 : memref<64x1024xf32, #tpu.memory_space<vmem>>) dst(%dma_wait3A_14 : memref<64x1024xf32, #tpu.memory_space<hbm>>)
      tpu.yield
    }) : () -> ()
    return
  }
}

#map = affine_map<(d0, d1) -> (0, 0)>
#map1 = affine_map<(d0, d1) -> (0)>
module attributes {stable_mosaic.version = 14 : i64} {
  func.func @_dispatch_body(%arg0: i32, %arg1: i32, %arg2: memref<2048x1024xf32, #tpu.memory_space<hbm>>, %arg3: memref<2048xi32, #tpu.memory_space<hbm>>, %arg4: memref<2048xf32, #tpu.memory_space<hbm>>, %arg5: memref<4064x1024xf32, #tpu.memory_space<hbm>>, %arg6: memref<4064x128xf32, #tpu.memory_space<hbm>>, %arg7: memref<64xi32, #tpu.memory_space<vmem>>, %arg8: memref<64x1024xf32, #tpu.memory_space<vmem>>, %arg9: memref<64xf32, #tpu.memory_space<vmem>>, %arg10: memref<64x128xf32, #tpu.memory_space<vmem>>, %arg11: memref<!tpu.dma_semaphore, #tpu.memory_space<semaphore_mem>>) attributes {dimension_semantics = [#tpu.dimension_semantics<core_parallel>, #tpu.dimension_semantics<subcore_parallel>], iteration_bounds = array<i64: 2, 16>, scalar_prefetch = 0 : i64, scratch_operands = 5 : i64, tpu.core_type = #tpu.core_type<sc_vector_subcore>, window_params = [{transform_indices = #map}, {transform_indices = #map1}, {transform_indices = #map1}, {transform_indices = #map}, {transform_indices = #map}]} {
    %mul3A = arith.constant 2 : i32
    %mul3A_0 = arith.muli %arg1, %mul3A : i32
    %add3A = arith.addi %mul3A_0, %arg0 : i32
    %mul3A_1 = arith.constant 64 : i32
    %mul3A_2 = arith.muli %add3A, %mul3A_1 : i32
    "tpu.region"() ({
      %run_scoped3A = tpu.sem_alloc : memref<!tpu.dma_semaphore, #tpu.memory_space<semaphore_mem>>
      %dma_start3A_596 = tpu.memref_slice %arg3[%mul3A_2] : memref<2048xi32, #tpu.memory_space<hbm>> -> memref<64xi32, #tpu.memory_space<hbm>>
      %dma_start3A_597 = tpu.memref_slice %arg3[%mul3A_2] : memref<2048xi32, #tpu.memory_space<hbm>> -> memref<64xi32, #tpu.memory_space<hbm>>
      tpu.enqueue_dma source(%dma_start3A_597 : memref<64xi32, #tpu.memory_space<hbm>>) target(%arg7 : memref<64xi32, #tpu.memory_space<vmem>>) target_semaphore(%run_scoped3A : memref<!tpu.dma_semaphore, #tpu.memory_space<semaphore_mem>>)
      %dma_wait3A_598 = tpu.memref_slice %arg3[%mul3A_2] : memref<2048xi32, #tpu.memory_space<hbm>> -> memref<64xi32, #tpu.memory_space<hbm>>
      %dma_wait3A_599 = tpu.memref_slice %arg3[%mul3A_2] : memref<2048xi32, #tpu.memory_space<hbm>> -> memref<64xi32, #tpu.memory_space<hbm>>
      tpu.wait_dma2 semaphore(%run_scoped3A : memref<!tpu.dma_semaphore, #tpu.memory_space<semaphore_mem>>) src(%dma_wait3A_599 : memref<64xi32, #tpu.memory_space<hbm>>) dst(%arg7 : memref<64xi32, #tpu.memory_space<vmem>>)
      tpu.yield
    }) : () -> ()
    "tpu.region"() ({
      %run_scoped3A = tpu.sem_alloc : memref<!tpu.dma_semaphore, #tpu.memory_space<semaphore_mem>>
      %dma_start3A_596 = arith.constant 0 : i32
      %dma_start3A_597 = tpu.memref_slice %arg2[%mul3A_2, %dma_start3A_596] : memref<2048x1024xf32, #tpu.memory_space<hbm>> -> memref<64x1024xf32, #tpu.memory_space<hbm>>
      %dma_start3A_598 = arith.constant 0 : i32
      %dma_start3A_599 = tpu.memref_slice %arg2[%mul3A_2, %dma_start3A_598] : memref<2048x1024xf32, #tpu.memory_space<hbm>> -> memref<64x1024xf32, #tpu.memory_space<hbm>>
      tpu.enqueue_dma source(%dma_start3A_599 : memref<64x1024xf32, #tpu.memory_space<hbm>>) target(%arg8 : memref<64x1024xf32, #tpu.memory_space<vmem>>) target_semaphore(%run_scoped3A : memref<!tpu.dma_semaphore, #tpu.memory_space<semaphore_mem>>)
      %dma_wait3A_600 = arith.constant 0 : i32
      %dma_wait3A_601 = tpu.memref_slice %arg2[%mul3A_2, %dma_wait3A_600] : memref<2048x1024xf32, #tpu.memory_space<hbm>> -> memref<64x1024xf32, #tpu.memory_space<hbm>>
      %dma_wait3A_602 = arith.constant 0 : i32
      %dma_wait3A_603 = tpu.memref_slice %arg2[%mul3A_2, %dma_wait3A_602] : memref<2048x1024xf32, #tpu.memory_space<hbm>> -> memref<64x1024xf32, #tpu.memory_space<hbm>>
      tpu.wait_dma2 semaphore(%run_scoped3A : memref<!tpu.dma_semaphore, #tpu.memory_space<semaphore_mem>>) src(%dma_wait3A_603 : memref<64x1024xf32, #tpu.memory_space<hbm>>) dst(%arg8 : memref<64x1024xf32, #tpu.memory_space<vmem>>)
      tpu.yield
    }) : () -> ()
    "tpu.region"() ({
      %run_scoped3A = tpu.sem_alloc : memref<!tpu.dma_semaphore, #tpu.memory_space<semaphore_mem>>
      %dma_start3A_596 = tpu.memref_slice %arg4[%mul3A_2] : memref<2048xf32, #tpu.memory_space<hbm>> -> memref<64xf32, #tpu.memory_space<hbm>>
      %dma_start3A_597 = tpu.memref_slice %arg4[%mul3A_2] : memref<2048xf32, #tpu.memory_space<hbm>> -> memref<64xf32, #tpu.memory_space<hbm>>
      tpu.enqueue_dma source(%dma_start3A_597 : memref<64xf32, #tpu.memory_space<hbm>>) target(%arg9 : memref<64xf32, #tpu.memory_space<vmem>>) target_semaphore(%run_scoped3A : memref<!tpu.dma_semaphore, #tpu.memory_space<semaphore_mem>>)
      %dma_wait3A_598 = tpu.memref_slice %arg4[%mul3A_2] : memref<2048xf32, #tpu.memory_space<hbm>> -> memref<64xf32, #tpu.memory_space<hbm>>
      %dma_wait3A_599 = tpu.memref_slice %arg4[%mul3A_2] : memref<2048xf32, #tpu.memory_space<hbm>> -> memref<64xf32, #tpu.memory_space<hbm>>
      tpu.wait_dma2 semaphore(%run_scoped3A : memref<!tpu.dma_semaphore, #tpu.memory_space<semaphore_mem>>) src(%dma_wait3A_599 : memref<64xf32, #tpu.memory_space<hbm>>) dst(%arg9 : memref<64xf32, #tpu.memory_space<vmem>>)
      tpu.yield
    }) : () -> ()
    %dma_start3A = arith.constant 0 : i32
    %dma_start3A_3 = arith.constant 0 : i32
    %dma_start3A_4 = tpu.memref_slice %arg5[%dma_start3A, %dma_start3A_3] : memref<4064x1024xf32, #tpu.memory_space<hbm>> -> memref<4064x1024xf32, #tpu.memory_space<hbm>>
    tpu.enqueue_indirect_dma source(%arg8 : memref<64x1024xf32, #tpu.memory_space<vmem>>) target(%dma_start3A_4 : memref<4064x1024xf32, #tpu.memory_space<hbm>>) offsets(%arg7 : memref<64xi32, #tpu.memory_space<vmem>>) semaphore(%arg11 : memref<!tpu.dma_semaphore, #tpu.memory_space<semaphore_mem>>)
    %get3A = arith.constant 0 : index
    %get3A_5 = tpu.vector_load %arg9[%get3A] {strides = array<i32>} : memref<64xf32, #tpu.memory_space<vmem>>, vector<16xf32>,
    %get3A_6 = vector.shape_cast %get3A_5 : vector<16xf32> to vector<16xf32>
    %slice3A = vector.extract_strided_slice %get3A_6 {offsets = [0], sizes = [1], strides = [1]} : vector<16xf32> to vector<1xf32>
    %squeeze3A = vector.extract %slice3A[0] : f32 from vector<1xf32>
    %broadcast_in_dim3A = vector.broadcast %squeeze3A : f32 to vector<16xf32>
    %swap3A = arith.constant 0 : i32
    %swap3A_7 = arith.index_cast %swap3A : i32 to index
    %swap3A_8 = arith.constant 0 : index
    %swap3A_9 = tpu.vector_load %arg10[%swap3A_7, %swap3A_8] {strides = array<i32>} : memref<64x128xf32, #tpu.memory_space<vmem>>, vector<1x16xf32>,
    %swap3A_10 = vector.shape_cast %swap3A_9 : vector<1x16xf32> to vector<16xf32>
    %swap3A_11 = vector.shape_cast %broadcast_in_dim3A : vector<16xf32> to vector<1x16xf32>
    tpu.vector_store %arg10[%swap3A_7, %swap3A_8], %swap3A_11 {strides = array<i32>} : memref<64x128xf32, #tpu.memory_space<vmem>>, vector<1x16xf32>,
    %slice3A_12 = vector.extract_strided_slice %get3A_6 {offsets = [1], sizes = [1], strides = [1]} : vector<16xf32> to vector<1xf32>
    %squeeze3A_13 = vector.extract %slice3A_12[0] : f32 from vector<1xf32>
    %broadcast_in_dim3A_14 = vector.broadcast %squeeze3A_13 : f32 to vector<16xf32>
    %swap3A_15 = arith.constant 1 : i32
    %swap3A_16 = arith.index_cast %swap3A_15 : i32 to index
    %swap3A_17 = arith.constant 0 : index
    %swap3A_18 = tpu.vector_load %arg10[%swap3A_16, %swap3A_17] {strides = array<i32>} : memref<64x128xf32, #tpu.memory_space<vmem>>, vector<1x16xf32>,
    %swap3A_19 = vector.shape_cast %swap3A_18 : vector<1x16xf32> to vector<16xf32>
    %swap3A_20 = vector.shape_cast %broadcast_in_dim3A_14 : vector<16xf32> to vector<1x16xf32>
    tpu.vector_store %arg10[%swap3A_16, %swap3A_17], %swap3A_20 {strides = array<i32>} : memref<64x128xf32, #tpu.memory_space<vmem>>, vector<1x16xf32>,
    %slice3A_21 = vector.extract_strided_slice %get3A_6 {offsets = [2], sizes = [1], strides = [1]} : vector<16xf32> to vector<1xf32>
    %squeeze3A_22 = vector.extract %slice3A_21[0] : f32 from vector<1xf32>
    %broadcast_in_dim3A_23 = vector.broadcast %squeeze3A_22 : f32 to vector<16xf32>
    %swap3A_24 = arith.constant 2 : i32
    %swap3A_25 = arith.index_cast %swap3A_24 : i32 to index
    %swap3A_26 = arith.constant 0 : index
    %swap3A_27 = tpu.vector_load %arg10[%swap3A_25, %swap3A_26] {strides = array<i32>} : memref<64x128xf32, #tpu.memory_space<vmem>>, vector<1x16xf32>,
    %swap3A_28 = vector.shape_cast %swap3A_27 : vector<1x16xf32> to vector<16xf32>
    %swap3A_29 = vector.shape_cast %broadcast_in_dim3A_23 : vector<16xf32> to vector<1x16xf32>
    tpu.vector_store %arg10[%swap3A_25, %swap3A_26], %swap3A_29 {strides = array<i32>} : memref<64x128xf32, #tpu.memory_space<vmem>>, vector<1x16xf32>,
    %slice3A_30 = vector.extract_strided_slice %get3A_6 {offsets = [3], sizes = [1], strides = [1]} : vector<16xf32> to vector<1xf32>
    %squeeze3A_31 = vector.extract %slice3A_30[0] : f32 from vector<1xf32>
    %broadcast_in_dim3A_32 = vector.broadcast %squeeze3A_31 : f32 to vector<16xf32>
    %swap3A_33 = arith.constant 3 : i32
    %swap3A_34 = arith.index_cast %swap3A_33 : i32 to index
    %swap3A_35 = arith.constant 0 : index
    %swap3A_36 = tpu.vector_load %arg10[%swap3A_34, %swap3A_35] {strides = array<i32>} : memref<64x128xf32, #tpu.memory_space<vmem>>, vector<1x16xf32>,
    %swap3A_37 = vector.shape_cast %swap3A_36 : vector<1x16xf32> to vector<16xf32>
    %swap3A_38 = vector.shape_cast %broadcast_in_dim3A_32 : vector<16xf32> to vector<1x16xf32>
    tpu.vector_store %arg10[%swap3A_34, %swap3A_35], %swap3A_38 {strides = array<i32>} : memref<64x128xf32, #tpu.memory_space<vmem>>, vector<1x16xf32>,
    %slice3A_39 = vector.extract_strided_slice %get3A_6 {offsets = [4], sizes = [1], strides = [1]} : vector<16xf32> to vector<1xf32>
    %squeeze3A_40 = vector.extract %slice3A_39[0] : f32 from vector<1xf32>
    %broadcast_in_dim3A_41 = vector.broadcast %squeeze3A_40 : f32 to vector<16xf32>
    %swap3A_42 = arith.constant 4 : i32
    %swap3A_43 = arith.index_cast %swap3A_42 : i32 to index
    %swap3A_44 = arith.constant 0 : index
    %swap3A_45 = tpu.vector_load %arg10[%swap3A_43, %swap3A_44] {strides = array<i32>} : memref<64x128xf32, #tpu.memory_space<vmem>>, vector<1x16xf32>,
    %swap3A_46 = vector.shape_cast %swap3A_45 : vector<1x16xf32> to vector<16xf32>
    %swap3A_47 = vector.shape_cast %broadcast_in_dim3A_41 : vector<16xf32> to vector<1x16xf32>
    tpu.vector_store %arg10[%swap3A_43, %swap3A_44], %swap3A_47 {strides = array<i32>} : memref<64x128xf32, #tpu.memory_space<vmem>>, vector<1x16xf32>,
    %slice3A_48 = vector.extract_strided_slice %get3A_6 {offsets = [5], sizes = [1], strides = [1]} : vector<16xf32> to vector<1xf32>
    %squeeze3A_49 = vector.extract %slice3A_48[0] : f32 from vector<1xf32>
    %broadcast_in_dim3A_50 = vector.broadcast %squeeze3A_49 : f32 to vector<16xf32>
    %swap3A_51 = arith.constant 5 : i32
    %swap3A_52 = arith.index_cast %swap3A_51 : i32 to index
    %swap3A_53 = arith.constant 0 : index
    %swap3A_54 = tpu.vector_load %arg10[%swap3A_52, %swap3A_53] {strides = array<i32>} : memref<64x128xf32, #tpu.memory_space<vmem>>, vector<1x16xf32>,
    %swap3A_55 = vector.shape_cast %swap3A_54 : vector<1x16xf32> to vector<16xf32>
    %swap3A_56 = vector.shape_cast %broadcast_in_dim3A_50 : vector<16xf32> to vector<1x16xf32>
    tpu.vector_store %arg10[%swap3A_52, %swap3A_53], %swap3A_56 {strides = array<i32>} : memref<64x128xf32, #tpu.memory_space<vmem>>, vector<1x16xf32>,
    %slice3A_57 = vector.extract_strided_slice %get3A_6 {offsets = [6], sizes = [1], strides = [1]} : vector<16xf32> to vector<1xf32>
    %squeeze3A_58 = vector.extract %slice3A_57[0] : f32 from vector<1xf32>
    %broadcast_in_dim3A_59 = vector.broadcast %squeeze3A_58 : f32 to vector<16xf32>
    %swap3A_60 = arith.constant 6 : i32
    %swap3A_61 = arith.index_cast %swap3A_60 : i32 to index
    %swap3A_62 = arith.constant 0 : index
    %swap3A_63 = tpu.vector_load %arg10[%swap3A_61, %swap3A_62] {strides = array<i32>} : memref<64x128xf32, #tpu.memory_space<vmem>>, vector<1x16xf32>,
    %swap3A_64 = vector.shape_cast %swap3A_63 : vector<1x16xf32> to vector<16xf32>
    %swap3A_65 = vector.shape_cast %broadcast_in_dim3A_59 : vector<16xf32> to vector<1x16xf32>
    tpu.vector_store %arg10[%swap3A_61, %swap3A_62], %swap3A_65 {strides = array<i32>} : memref<64x128xf32, #tpu.memory_space<vmem>>, vector<1x16xf32>,
    %slice3A_66 = vector.extract_strided_slice %get3A_6 {offsets = [7], sizes = [1], strides = [1]} : vector<16xf32> to vector<1xf32>
    %squeeze3A_67 = vector.extract %slice3A_66[0] : f32 from vector<1xf32>
    %broadcast_in_dim3A_68 = vector.broadcast %squeeze3A_67 : f32 to vector<16xf32>
    %swap3A_69 = arith.constant 7 : i32
    %swap3A_70 = arith.index_cast %swap3A_69 : i32 to index
    %swap3A_71 = arith.constant 0 : index
    %swap3A_72 = tpu.vector_load %arg10[%swap3A_70, %swap3A_71] {strides = array<i32>} : memref<64x128xf32, #tpu.memory_space<vmem>>, vector<1x16xf32>,
    %swap3A_73 = vector.shape_cast %swap3A_72 : vector<1x16xf32> to vector<16xf32>
    %swap3A_74 = vector.shape_cast %broadcast_in_dim3A_68 : vector<16xf32> to vector<1x16xf32>
    tpu.vector_store %arg10[%swap3A_70, %swap3A_71], %swap3A_74 {strides = array<i32>} : memref<64x128xf32, #tpu.memory_space<vmem>>, vector<1x16xf32>,
    %slice3A_75 = vector.extract_strided_slice %get3A_6 {offsets = [8], sizes = [1], strides = [1]} : vector<16xf32> to vector<1xf32>
    %squeeze3A_76 = vector.extract %slice3A_75[0] : f32 from vector<1xf32>
    %broadcast_in_dim3A_77 = vector.broadcast %squeeze3A_76 : f32 to vector<16xf32>
    %swap3A_78 = arith.constant 8 : i32
    %swap3A_79 = arith.index_cast %swap3A_78 : i32 to index
    %swap3A_80 = arith.constant 0 : index
    %swap3A_81 = tpu.vector_load %arg10[%swap3A_79, %swap3A_80] {strides = array<i32>} : memref<64x128xf32, #tpu.memory_space<vmem>>, vector<1x16xf32>,
    %swap3A_82 = vector.shape_cast %swap3A_81 : vector<1x16xf32> to vector<16xf32>
    %swap3A_83 = vector.shape_cast %broadcast_in_dim3A_77 : vector<16xf32> to vector<1x16xf32>
    tpu.vector_store %arg10[%swap3A_79, %swap3A_80], %swap3A_83 {strides = array<i32>} : memref<64x128xf32, #tpu.memory_space<vmem>>, vector<1x16xf32>,
    %slice3A_84 = vector.extract_strided_slice %get3A_6 {offsets = [9], sizes = [1], strides = [1]} : vector<16xf32> to vector<1xf32>
    %squeeze3A_85 = vector.extract %slice3A_84[0] : f32 from vector<1xf32>
    %broadcast_in_dim3A_86 = vector.broadcast %squeeze3A_85 : f32 to vector<16xf32>
    %swap3A_87 = arith.constant 9 : i32
    %swap3A_88 = arith.index_cast %swap3A_87 : i32 to index
    %swap3A_89 = arith.constant 0 : index
    %swap3A_90 = tpu.vector_load %arg10[%swap3A_88, %swap3A_89] {strides = array<i32>} : memref<64x128xf32, #tpu.memory_space<vmem>>, vector<1x16xf32>,
    %swap3A_91 = vector.shape_cast %swap3A_90 : vector<1x16xf32> to vector<16xf32>
    %swap3A_92 = vector.shape_cast %broadcast_in_dim3A_86 : vector<16xf32> to vector<1x16xf32>
    tpu.vector_store %arg10[%swap3A_88, %swap3A_89], %swap3A_92 {strides = array<i32>} : memref<64x128xf32, #tpu.memory_space<vmem>>, vector<1x16xf32>,
    %slice3A_93 = vector.extract_strided_slice %get3A_6 {offsets = [10], sizes = [1], strides = [1]} : vector<16xf32> to vector<1xf32>
    %squeeze3A_94 = vector.extract %slice3A_93[0] : f32 from vector<1xf32>
    %broadcast_in_dim3A_95 = vector.broadcast %squeeze3A_94 : f32 to vector<16xf32>
    %swap3A_96 = arith.constant 10 : i32
    %swap3A_97 = arith.index_cast %swap3A_96 : i32 to index
    %swap3A_98 = arith.constant 0 : index
    %swap3A_99 = tpu.vector_load %arg10[%swap3A_97, %swap3A_98] {strides = array<i32>} : memref<64x128xf32, #tpu.memory_space<vmem>>, vector<1x16xf32>,
    %swap3A_100 = vector.shape_cast %swap3A_99 : vector<1x16xf32> to vector<16xf32>
    %swap3A_101 = vector.shape_cast %broadcast_in_dim3A_95 : vector<16xf32> to vector<1x16xf32>
    tpu.vector_store %arg10[%swap3A_97, %swap3A_98], %swap3A_101 {strides = array<i32>} : memref<64x128xf32, #tpu.memory_space<vmem>>, vector<1x16xf32>,
    %slice3A_102 = vector.extract_strided_slice %get3A_6 {offsets = [11], sizes = [1], strides = [1]} : vector<16xf32> to vector<1xf32>
    %squeeze3A_103 = vector.extract %slice3A_102[0] : f32 from vector<1xf32>
    %broadcast_in_dim3A_104 = vector.broadcast %squeeze3A_103 : f32 to vector<16xf32>
    %swap3A_105 = arith.constant 11 : i32
    %swap3A_106 = arith.index_cast %swap3A_105 : i32 to index
    %swap3A_107 = arith.constant 0 : index
    %swap3A_108 = tpu.vector_load %arg10[%swap3A_106, %swap3A_107] {strides = array<i32>} : memref<64x128xf32, #tpu.memory_space<vmem>>, vector<1x16xf32>,
    %swap3A_109 = vector.shape_cast %swap3A_108 : vector<1x16xf32> to vector<16xf32>
    %swap3A_110 = vector.shape_cast %broadcast_in_dim3A_104 : vector<16xf32> to vector<1x16xf32>
    tpu.vector_store %arg10[%swap3A_106, %swap3A_107], %swap3A_110 {strides = array<i32>} : memref<64x128xf32, #tpu.memory_space<vmem>>, vector<1x16xf32>,
    %slice3A_111 = vector.extract_strided_slice %get3A_6 {offsets = [12], sizes = [1], strides = [1]} : vector<16xf32> to vector<1xf32>
    %squeeze3A_112 = vector.extract %slice3A_111[0] : f32 from vector<1xf32>
    %broadcast_in_dim3A_113 = vector.broadcast %squeeze3A_112 : f32 to vector<16xf32>
    %swap3A_114 = arith.constant 12 : i32
    %swap3A_115 = arith.index_cast %swap3A_114 : i32 to index
    %swap3A_116 = arith.constant 0 : index
    %swap3A_117 = tpu.vector_load %arg10[%swap3A_115, %swap3A_116] {strides = array<i32>} : memref<64x128xf32, #tpu.memory_space<vmem>>, vector<1x16xf32>,
    %swap3A_118 = vector.shape_cast %swap3A_117 : vector<1x16xf32> to vector<16xf32>
    %swap3A_119 = vector.shape_cast %broadcast_in_dim3A_113 : vector<16xf32> to vector<1x16xf32>
    tpu.vector_store %arg10[%swap3A_115, %swap3A_116], %swap3A_119 {strides = array<i32>} : memref<64x128xf32, #tpu.memory_space<vmem>>, vector<1x16xf32>,
    %slice3A_120 = vector.extract_strided_slice %get3A_6 {offsets = [13], sizes = [1], strides = [1]} : vector<16xf32> to vector<1xf32>
    %squeeze3A_121 = vector.extract %slice3A_120[0] : f32 from vector<1xf32>
    %broadcast_in_dim3A_122 = vector.broadcast %squeeze3A_121 : f32 to vector<16xf32>
    %swap3A_123 = arith.constant 13 : i32
    %swap3A_124 = arith.index_cast %swap3A_123 : i32 to index
    %swap3A_125 = arith.constant 0 : index
    %swap3A_126 = tpu.vector_load %arg10[%swap3A_124, %swap3A_125] {strides = array<i32>} : memref<64x128xf32, #tpu.memory_space<vmem>>, vector<1x16xf32>,
    %swap3A_127 = vector.shape_cast %swap3A_126 : vector<1x16xf32> to vector<16xf32>
    %swap3A_128 = vector.shape_cast %broadcast_in_dim3A_122 : vector<16xf32> to vector<1x16xf32>
    tpu.vector_store %arg10[%swap3A_124, %swap3A_125], %swap3A_128 {strides = array<i32>} : memref<64x128xf32, #tpu.memory_space<vmem>>, vector<1x16xf32>,
    %slice3A_129 = vector.extract_strided_slice %get3A_6 {offsets = [14], sizes = [1], strides = [1]} : vector<16xf32> to vector<1xf32>
    %squeeze3A_130 = vector.extract %slice3A_129[0] : f32 from vector<1xf32>
    %broadcast_in_dim3A_131 = vector.broadcast %squeeze3A_130 : f32 to vector<16xf32>
    %swap3A_132 = arith.constant 14 : i32
    %swap3A_133 = arith.index_cast %swap3A_132 : i32 to index
    %swap3A_134 = arith.constant 0 : index
    %swap3A_135 = tpu.vector_load %arg10[%swap3A_133, %swap3A_134] {strides = array<i32>} : memref<64x128xf32, #tpu.memory_space<vmem>>, vector<1x16xf32>,
    %swap3A_136 = vector.shape_cast %swap3A_135 : vector<1x16xf32> to vector<16xf32>
    %swap3A_137 = vector.shape_cast %broadcast_in_dim3A_131 : vector<16xf32> to vector<1x16xf32>
    tpu.vector_store %arg10[%swap3A_133, %swap3A_134], %swap3A_137 {strides = array<i32>} : memref<64x128xf32, #tpu.memory_space<vmem>>, vector<1x16xf32>,
    %slice3A_138 = vector.extract_strided_slice %get3A_6 {offsets = [15], sizes = [1], strides = [1]} : vector<16xf32> to vector<1xf32>
    %squeeze3A_139 = vector.extract %slice3A_138[0] : f32 from vector<1xf32>
    %broadcast_in_dim3A_140 = vector.broadcast %squeeze3A_139 : f32 to vector<16xf32>
    %swap3A_141 = arith.constant 15 : i32
    %swap3A_142 = arith.index_cast %swap3A_141 : i32 to index
    %swap3A_143 = arith.constant 0 : index
    %swap3A_144 = tpu.vector_load %arg10[%swap3A_142, %swap3A_143] {strides = array<i32>} : memref<64x128xf32, #tpu.memory_space<vmem>>, vector<1x16xf32>,
    %swap3A_145 = vector.shape_cast %swap3A_144 : vector<1x16xf32> to vector<16xf32>
    %swap3A_146 = vector.shape_cast %broadcast_in_dim3A_140 : vector<16xf32> to vector<1x16xf32>
    tpu.vector_store %arg10[%swap3A_142, %swap3A_143], %swap3A_146 {strides = array<i32>} : memref<64x128xf32, #tpu.memory_space<vmem>>, vector<1x16xf32>,
    %get3A_147 = arith.constant 16 : index
    %get3A_148 = tpu.vector_load %arg9[%get3A_147] {strides = array<i32>} : memref<64xf32, #tpu.memory_space<vmem>>, vector<16xf32>,
    %get3A_149 = vector.shape_cast %get3A_148 : vector<16xf32> to vector<16xf32>
    %slice3A_150 = vector.extract_strided_slice %get3A_149 {offsets = [0], sizes = [1], strides = [1]} : vector<16xf32> to vector<1xf32>
    %squeeze3A_151 = vector.extract %slice3A_150[0] : f32 from vector<1xf32>
    %broadcast_in_dim3A_152 = vector.broadcast %squeeze3A_151 : f32 to vector<16xf32>
    %swap3A_153 = arith.constant 16 : i32
    %swap3A_154 = arith.index_cast %swap3A_153 : i32 to index
    %swap3A_155 = arith.constant 0 : index
    %swap3A_156 = tpu.vector_load %arg10[%swap3A_154, %swap3A_155] {strides = array<i32>} : memref<64x128xf32, #tpu.memory_space<vmem>>, vector<1x16xf32>,
    %swap3A_157 = vector.shape_cast %swap3A_156 : vector<1x16xf32> to vector<16xf32>
    %swap3A_158 = vector.shape_cast %broadcast_in_dim3A_152 : vector<16xf32> to vector<1x16xf32>
    tpu.vector_store %arg10[%swap3A_154, %swap3A_155], %swap3A_158 {strides = array<i32>} : memref<64x128xf32, #tpu.memory_space<vmem>>, vector<1x16xf32>,
    %slice3A_159 = vector.extract_strided_slice %get3A_149 {offsets = [1], sizes = [1], strides = [1]} : vector<16xf32> to vector<1xf32>
    %squeeze3A_160 = vector.extract %slice3A_159[0] : f32 from vector<1xf32>
    %broadcast_in_dim3A_161 = vector.broadcast %squeeze3A_160 : f32 to vector<16xf32>
    %swap3A_162 = arith.constant 17 : i32
    %swap3A_163 = arith.index_cast %swap3A_162 : i32 to index
    %swap3A_164 = arith.constant 0 : index
    %swap3A_165 = tpu.vector_load %arg10[%swap3A_163, %swap3A_164] {strides = array<i32>} : memref<64x128xf32, #tpu.memory_space<vmem>>, vector<1x16xf32>,
    %swap3A_166 = vector.shape_cast %swap3A_165 : vector<1x16xf32> to vector<16xf32>
    %swap3A_167 = vector.shape_cast %broadcast_in_dim3A_161 : vector<16xf32> to vector<1x16xf32>
    tpu.vector_store %arg10[%swap3A_163, %swap3A_164], %swap3A_167 {strides = array<i32>} : memref<64x128xf32, #tpu.memory_space<vmem>>, vector<1x16xf32>,
    %slice3A_168 = vector.extract_strided_slice %get3A_149 {offsets = [2], sizes = [1], strides = [1]} : vector<16xf32> to vector<1xf32>
    %squeeze3A_169 = vector.extract %slice3A_168[0] : f32 from vector<1xf32>
    %broadcast_in_dim3A_170 = vector.broadcast %squeeze3A_169 : f32 to vector<16xf32>
    %swap3A_171 = arith.constant 18 : i32
    %swap3A_172 = arith.index_cast %swap3A_171 : i32 to index
    %swap3A_173 = arith.constant 0 : index
    %swap3A_174 = tpu.vector_load %arg10[%swap3A_172, %swap3A_173] {strides = array<i32>} : memref<64x128xf32, #tpu.memory_space<vmem>>, vector<1x16xf32>,
    %swap3A_175 = vector.shape_cast %swap3A_174 : vector<1x16xf32> to vector<16xf32>
    %swap3A_176 = vector.shape_cast %broadcast_in_dim3A_170 : vector<16xf32> to vector<1x16xf32>
    tpu.vector_store %arg10[%swap3A_172, %swap3A_173], %swap3A_176 {strides = array<i32>} : memref<64x128xf32, #tpu.memory_space<vmem>>, vector<1x16xf32>,
    %slice3A_177 = vector.extract_strided_slice %get3A_149 {offsets = [3], sizes = [1], strides = [1]} : vector<16xf32> to vector<1xf32>
    %squeeze3A_178 = vector.extract %slice3A_177[0] : f32 from vector<1xf32>
    %broadcast_in_dim3A_179 = vector.broadcast %squeeze3A_178 : f32 to vector<16xf32>
    %swap3A_180 = arith.constant 19 : i32
    %swap3A_181 = arith.index_cast %swap3A_180 : i32 to index
    %swap3A_182 = arith.constant 0 : index
    %swap3A_183 = tpu.vector_load %arg10[%swap3A_181, %swap3A_182] {strides = array<i32>} : memref<64x128xf32, #tpu.memory_space<vmem>>, vector<1x16xf32>,
    %swap3A_184 = vector.shape_cast %swap3A_183 : vector<1x16xf32> to vector<16xf32>
    %swap3A_185 = vector.shape_cast %broadcast_in_dim3A_179 : vector<16xf32> to vector<1x16xf32>
    tpu.vector_store %arg10[%swap3A_181, %swap3A_182], %swap3A_185 {strides = array<i32>} : memref<64x128xf32, #tpu.memory_space<vmem>>, vector<1x16xf32>,
    %slice3A_186 = vector.extract_strided_slice %get3A_149 {offsets = [4], sizes = [1], strides = [1]} : vector<16xf32> to vector<1xf32>
    %squeeze3A_187 = vector.extract %slice3A_186[0] : f32 from vector<1xf32>
    %broadcast_in_dim3A_188 = vector.broadcast %squeeze3A_187 : f32 to vector<16xf32>
    %swap3A_189 = arith.constant 20 : i32
    %swap3A_190 = arith.index_cast %swap3A_189 : i32 to index
    %swap3A_191 = arith.constant 0 : index
    %swap3A_192 = tpu.vector_load %arg10[%swap3A_190, %swap3A_191] {strides = array<i32>} : memref<64x128xf32, #tpu.memory_space<vmem>>, vector<1x16xf32>,
    %swap3A_193 = vector.shape_cast %swap3A_192 : vector<1x16xf32> to vector<16xf32>
    %swap3A_194 = vector.shape_cast %broadcast_in_dim3A_188 : vector<16xf32> to vector<1x16xf32>
    tpu.vector_store %arg10[%swap3A_190, %swap3A_191], %swap3A_194 {strides = array<i32>} : memref<64x128xf32, #tpu.memory_space<vmem>>, vector<1x16xf32>,
    %slice3A_195 = vector.extract_strided_slice %get3A_149 {offsets = [5], sizes = [1], strides = [1]} : vector<16xf32> to vector<1xf32>
    %squeeze3A_196 = vector.extract %slice3A_195[0] : f32 from vector<1xf32>
    %broadcast_in_dim3A_197 = vector.broadcast %squeeze3A_196 : f32 to vector<16xf32>
    %swap3A_198 = arith.constant 21 : i32
    %swap3A_199 = arith.index_cast %swap3A_198 : i32 to index
    %swap3A_200 = arith.constant 0 : index
    %swap3A_201 = tpu.vector_load %arg10[%swap3A_199, %swap3A_200] {strides = array<i32>} : memref<64x128xf32, #tpu.memory_space<vmem>>, vector<1x16xf32>,
    %swap3A_202 = vector.shape_cast %swap3A_201 : vector<1x16xf32> to vector<16xf32>
    %swap3A_203 = vector.shape_cast %broadcast_in_dim3A_197 : vector<16xf32> to vector<1x16xf32>
    tpu.vector_store %arg10[%swap3A_199, %swap3A_200], %swap3A_203 {strides = array<i32>} : memref<64x128xf32, #tpu.memory_space<vmem>>, vector<1x16xf32>,
    %slice3A_204 = vector.extract_strided_slice %get3A_149 {offsets = [6], sizes = [1], strides = [1]} : vector<16xf32> to vector<1xf32>
    %squeeze3A_205 = vector.extract %slice3A_204[0] : f32 from vector<1xf32>
    %broadcast_in_dim3A_206 = vector.broadcast %squeeze3A_205 : f32 to vector<16xf32>
    %swap3A_207 = arith.constant 22 : i32
    %swap3A_208 = arith.index_cast %swap3A_207 : i32 to index
    %swap3A_209 = arith.constant 0 : index
    %swap3A_210 = tpu.vector_load %arg10[%swap3A_208, %swap3A_209] {strides = array<i32>} : memref<64x128xf32, #tpu.memory_space<vmem>>, vector<1x16xf32>,
    %swap3A_211 = vector.shape_cast %swap3A_210 : vector<1x16xf32> to vector<16xf32>
    %swap3A_212 = vector.shape_cast %broadcast_in_dim3A_206 : vector<16xf32> to vector<1x16xf32>
    tpu.vector_store %arg10[%swap3A_208, %swap3A_209], %swap3A_212 {strides = array<i32>} : memref<64x128xf32, #tpu.memory_space<vmem>>, vector<1x16xf32>,
    %slice3A_213 = vector.extract_strided_slice %get3A_149 {offsets = [7], sizes = [1], strides = [1]} : vector<16xf32> to vector<1xf32>
    %squeeze3A_214 = vector.extract %slice3A_213[0] : f32 from vector<1xf32>
    %broadcast_in_dim3A_215 = vector.broadcast %squeeze3A_214 : f32 to vector<16xf32>
    %swap3A_216 = arith.constant 23 : i32
    %swap3A_217 = arith.index_cast %swap3A_216 : i32 to index
    %swap3A_218 = arith.constant 0 : index
    %swap3A_219 = tpu.vector_load %arg10[%swap3A_217, %swap3A_218] {strides = array<i32>} : memref<64x128xf32, #tpu.memory_space<vmem>>, vector<1x16xf32>,
    %swap3A_220 = vector.shape_cast %swap3A_219 : vector<1x16xf32> to vector<16xf32>
    %swap3A_221 = vector.shape_cast %broadcast_in_dim3A_215 : vector<16xf32> to vector<1x16xf32>
    tpu.vector_store %arg10[%swap3A_217, %swap3A_218], %swap3A_221 {strides = array<i32>} : memref<64x128xf32, #tpu.memory_space<vmem>>, vector<1x16xf32>,
    %slice3A_222 = vector.extract_strided_slice %get3A_149 {offsets = [8], sizes = [1], strides = [1]} : vector<16xf32> to vector<1xf32>
    %squeeze3A_223 = vector.extract %slice3A_222[0] : f32 from vector<1xf32>
    %broadcast_in_dim3A_224 = vector.broadcast %squeeze3A_223 : f32 to vector<16xf32>
    %swap3A_225 = arith.constant 24 : i32
    %swap3A_226 = arith.index_cast %swap3A_225 : i32 to index
    %swap3A_227 = arith.constant 0 : index
    %swap3A_228 = tpu.vector_load %arg10[%swap3A_226, %swap3A_227] {strides = array<i32>} : memref<64x128xf32, #tpu.memory_space<vmem>>, vector<1x16xf32>,
    %swap3A_229 = vector.shape_cast %swap3A_228 : vector<1x16xf32> to vector<16xf32>
    %swap3A_230 = vector.shape_cast %broadcast_in_dim3A_224 : vector<16xf32> to vector<1x16xf32>
    tpu.vector_store %arg10[%swap3A_226, %swap3A_227], %swap3A_230 {strides = array<i32>} : memref<64x128xf32, #tpu.memory_space<vmem>>, vector<1x16xf32>,
    %slice3A_231 = vector.extract_strided_slice %get3A_149 {offsets = [9], sizes = [1], strides = [1]} : vector<16xf32> to vector<1xf32>
    %squeeze3A_232 = vector.extract %slice3A_231[0] : f32 from vector<1xf32>
    %broadcast_in_dim3A_233 = vector.broadcast %squeeze3A_232 : f32 to vector<16xf32>
    %swap3A_234 = arith.constant 25 : i32
    %swap3A_235 = arith.index_cast %swap3A_234 : i32 to index
    %swap3A_236 = arith.constant 0 : index
    %swap3A_237 = tpu.vector_load %arg10[%swap3A_235, %swap3A_236] {strides = array<i32>} : memref<64x128xf32, #tpu.memory_space<vmem>>, vector<1x16xf32>,
    %swap3A_238 = vector.shape_cast %swap3A_237 : vector<1x16xf32> to vector<16xf32>
    %swap3A_239 = vector.shape_cast %broadcast_in_dim3A_233 : vector<16xf32> to vector<1x16xf32>
    tpu.vector_store %arg10[%swap3A_235, %swap3A_236], %swap3A_239 {strides = array<i32>} : memref<64x128xf32, #tpu.memory_space<vmem>>, vector<1x16xf32>,
    %slice3A_240 = vector.extract_strided_slice %get3A_149 {offsets = [10], sizes = [1], strides = [1]} : vector<16xf32> to vector<1xf32>
    %squeeze3A_241 = vector.extract %slice3A_240[0] : f32 from vector<1xf32>
    %broadcast_in_dim3A_242 = vector.broadcast %squeeze3A_241 : f32 to vector<16xf32>
    %swap3A_243 = arith.constant 26 : i32
    %swap3A_244 = arith.index_cast %swap3A_243 : i32 to index
    %swap3A_245 = arith.constant 0 : index
    %swap3A_246 = tpu.vector_load %arg10[%swap3A_244, %swap3A_245] {strides = array<i32>} : memref<64x128xf32, #tpu.memory_space<vmem>>, vector<1x16xf32>,
    %swap3A_247 = vector.shape_cast %swap3A_246 : vector<1x16xf32> to vector<16xf32>
    %swap3A_248 = vector.shape_cast %broadcast_in_dim3A_242 : vector<16xf32> to vector<1x16xf32>
    tpu.vector_store %arg10[%swap3A_244, %swap3A_245], %swap3A_248 {strides = array<i32>} : memref<64x128xf32, #tpu.memory_space<vmem>>, vector<1x16xf32>,
    %slice3A_249 = vector.extract_strided_slice %get3A_149 {offsets = [11], sizes = [1], strides = [1]} : vector<16xf32> to vector<1xf32>
    %squeeze3A_250 = vector.extract %slice3A_249[0] : f32 from vector<1xf32>
    %broadcast_in_dim3A_251 = vector.broadcast %squeeze3A_250 : f32 to vector<16xf32>
    %swap3A_252 = arith.constant 27 : i32
    %swap3A_253 = arith.index_cast %swap3A_252 : i32 to index
    %swap3A_254 = arith.constant 0 : index
    %swap3A_255 = tpu.vector_load %arg10[%swap3A_253, %swap3A_254] {strides = array<i32>} : memref<64x128xf32, #tpu.memory_space<vmem>>, vector<1x16xf32>,
    %swap3A_256 = vector.shape_cast %swap3A_255 : vector<1x16xf32> to vector<16xf32>
    %swap3A_257 = vector.shape_cast %broadcast_in_dim3A_251 : vector<16xf32> to vector<1x16xf32>
    tpu.vector_store %arg10[%swap3A_253, %swap3A_254], %swap3A_257 {strides = array<i32>} : memref<64x128xf32, #tpu.memory_space<vmem>>, vector<1x16xf32>,
    %slice3A_258 = vector.extract_strided_slice %get3A_149 {offsets = [12], sizes = [1], strides = [1]} : vector<16xf32> to vector<1xf32>
    %squeeze3A_259 = vector.extract %slice3A_258[0] : f32 from vector<1xf32>
    %broadcast_in_dim3A_260 = vector.broadcast %squeeze3A_259 : f32 to vector<16xf32>
    %swap3A_261 = arith.constant 28 : i32
    %swap3A_262 = arith.index_cast %swap3A_261 : i32 to index
    %swap3A_263 = arith.constant 0 : index
    %swap3A_264 = tpu.vector_load %arg10[%swap3A_262, %swap3A_263] {strides = array<i32>} : memref<64x128xf32, #tpu.memory_space<vmem>>, vector<1x16xf32>,
    %swap3A_265 = vector.shape_cast %swap3A_264 : vector<1x16xf32> to vector<16xf32>
    %swap3A_266 = vector.shape_cast %broadcast_in_dim3A_260 : vector<16xf32> to vector<1x16xf32>
    tpu.vector_store %arg10[%swap3A_262, %swap3A_263], %swap3A_266 {strides = array<i32>} : memref<64x128xf32, #tpu.memory_space<vmem>>, vector<1x16xf32>,
    %slice3A_267 = vector.extract_strided_slice %get3A_149 {offsets = [13], sizes = [1], strides = [1]} : vector<16xf32> to vector<1xf32>
    %squeeze3A_268 = vector.extract %slice3A_267[0] : f32 from vector<1xf32>
    %broadcast_in_dim3A_269 = vector.broadcast %squeeze3A_268 : f32 to vector<16xf32>
    %swap3A_270 = arith.constant 29 : i32
    %swap3A_271 = arith.index_cast %swap3A_270 : i32 to index
    %swap3A_272 = arith.constant 0 : index
    %swap3A_273 = tpu.vector_load %arg10[%swap3A_271, %swap3A_272] {strides = array<i32>} : memref<64x128xf32, #tpu.memory_space<vmem>>, vector<1x16xf32>,
    %swap3A_274 = vector.shape_cast %swap3A_273 : vector<1x16xf32> to vector<16xf32>
    %swap3A_275 = vector.shape_cast %broadcast_in_dim3A_269 : vector<16xf32> to vector<1x16xf32>
    tpu.vector_store %arg10[%swap3A_271, %swap3A_272], %swap3A_275 {strides = array<i32>} : memref<64x128xf32, #tpu.memory_space<vmem>>, vector<1x16xf32>,
    %slice3A_276 = vector.extract_strided_slice %get3A_149 {offsets = [14], sizes = [1], strides = [1]} : vector<16xf32> to vector<1xf32>
    %squeeze3A_277 = vector.extract %slice3A_276[0] : f32 from vector<1xf32>
    %broadcast_in_dim3A_278 = vector.broadcast %squeeze3A_277 : f32 to vector<16xf32>
    %swap3A_279 = arith.constant 30 : i32
    %swap3A_280 = arith.index_cast %swap3A_279 : i32 to index
    %swap3A_281 = arith.constant 0 : index
    %swap3A_282 = tpu.vector_load %arg10[%swap3A_280, %swap3A_281] {strides = array<i32>} : memref<64x128xf32, #tpu.memory_space<vmem>>, vector<1x16xf32>,
    %swap3A_283 = vector.shape_cast %swap3A_282 : vector<1x16xf32> to vector<16xf32>
    %swap3A_284 = vector.shape_cast %broadcast_in_dim3A_278 : vector<16xf32> to vector<1x16xf32>
    tpu.vector_store %arg10[%swap3A_280, %swap3A_281], %swap3A_284 {strides = array<i32>} : memref<64x128xf32, #tpu.memory_space<vmem>>, vector<1x16xf32>,
    %slice3A_285 = vector.extract_strided_slice %get3A_149 {offsets = [15], sizes = [1], strides = [1]} : vector<16xf32> to vector<1xf32>
    %squeeze3A_286 = vector.extract %slice3A_285[0] : f32 from vector<1xf32>
    %broadcast_in_dim3A_287 = vector.broadcast %squeeze3A_286 : f32 to vector<16xf32>
    %swap3A_288 = arith.constant 31 : i32
    %swap3A_289 = arith.index_cast %swap3A_288 : i32 to index
    %swap3A_290 = arith.constant 0 : index
    %swap3A_291 = tpu.vector_load %arg10[%swap3A_289, %swap3A_290] {strides = array<i32>} : memref<64x128xf32, #tpu.memory_space<vmem>>, vector<1x16xf32>,
    %swap3A_292 = vector.shape_cast %swap3A_291 : vector<1x16xf32> to vector<16xf32>
    %swap3A_293 = vector.shape_cast %broadcast_in_dim3A_287 : vector<16xf32> to vector<1x16xf32>
    tpu.vector_store %arg10[%swap3A_289, %swap3A_290], %swap3A_293 {strides = array<i32>} : memref<64x128xf32, #tpu.memory_space<vmem>>, vector<1x16xf32>,
    %get3A_294 = arith.constant 32 : index
    %get3A_295 = tpu.vector_load %arg9[%get3A_294] {strides = array<i32>} : memref<64xf32, #tpu.memory_space<vmem>>, vector<16xf32>,
    %get3A_296 = vector.shape_cast %get3A_295 : vector<16xf32> to vector<16xf32>
    %slice3A_297 = vector.extract_strided_slice %get3A_296 {offsets = [0], sizes = [1], strides = [1]} : vector<16xf32> to vector<1xf32>
    %squeeze3A_298 = vector.extract %slice3A_297[0] : f32 from vector<1xf32>
    %broadcast_in_dim3A_299 = vector.broadcast %squeeze3A_298 : f32 to vector<16xf32>
    %swap3A_300 = arith.constant 32 : i32
    %swap3A_301 = arith.index_cast %swap3A_300 : i32 to index
    %swap3A_302 = arith.constant 0 : index
    %swap3A_303 = tpu.vector_load %arg10[%swap3A_301, %swap3A_302] {strides = array<i32>} : memref<64x128xf32, #tpu.memory_space<vmem>>, vector<1x16xf32>,
    %swap3A_304 = vector.shape_cast %swap3A_303 : vector<1x16xf32> to vector<16xf32>
    %swap3A_305 = vector.shape_cast %broadcast_in_dim3A_299 : vector<16xf32> to vector<1x16xf32>
    tpu.vector_store %arg10[%swap3A_301, %swap3A_302], %swap3A_305 {strides = array<i32>} : memref<64x128xf32, #tpu.memory_space<vmem>>, vector<1x16xf32>,
    %slice3A_306 = vector.extract_strided_slice %get3A_296 {offsets = [1], sizes = [1], strides = [1]} : vector<16xf32> to vector<1xf32>
    %squeeze3A_307 = vector.extract %slice3A_306[0] : f32 from vector<1xf32>
    %broadcast_in_dim3A_308 = vector.broadcast %squeeze3A_307 : f32 to vector<16xf32>
    %swap3A_309 = arith.constant 33 : i32
    %swap3A_310 = arith.index_cast %swap3A_309 : i32 to index
    %swap3A_311 = arith.constant 0 : index
    %swap3A_312 = tpu.vector_load %arg10[%swap3A_310, %swap3A_311] {strides = array<i32>} : memref<64x128xf32, #tpu.memory_space<vmem>>, vector<1x16xf32>,
    %swap3A_313 = vector.shape_cast %swap3A_312 : vector<1x16xf32> to vector<16xf32>
    %swap3A_314 = vector.shape_cast %broadcast_in_dim3A_308 : vector<16xf32> to vector<1x16xf32>
    tpu.vector_store %arg10[%swap3A_310, %swap3A_311], %swap3A_314 {strides = array<i32>} : memref<64x128xf32, #tpu.memory_space<vmem>>, vector<1x16xf32>,
    %slice3A_315 = vector.extract_strided_slice %get3A_296 {offsets = [2], sizes = [1], strides = [1]} : vector<16xf32> to vector<1xf32>
    %squeeze3A_316 = vector.extract %slice3A_315[0] : f32 from vector<1xf32>
    %broadcast_in_dim3A_317 = vector.broadcast %squeeze3A_316 : f32 to vector<16xf32>
    %swap3A_318 = arith.constant 34 : i32
    %swap3A_319 = arith.index_cast %swap3A_318 : i32 to index
    %swap3A_320 = arith.constant 0 : index
    %swap3A_321 = tpu.vector_load %arg10[%swap3A_319, %swap3A_320] {strides = array<i32>} : memref<64x128xf32, #tpu.memory_space<vmem>>, vector<1x16xf32>,
    %swap3A_322 = vector.shape_cast %swap3A_321 : vector<1x16xf32> to vector<16xf32>
    %swap3A_323 = vector.shape_cast %broadcast_in_dim3A_317 : vector<16xf32> to vector<1x16xf32>
    tpu.vector_store %arg10[%swap3A_319, %swap3A_320], %swap3A_323 {strides = array<i32>} : memref<64x128xf32, #tpu.memory_space<vmem>>, vector<1x16xf32>,
    %slice3A_324 = vector.extract_strided_slice %get3A_296 {offsets = [3], sizes = [1], strides = [1]} : vector<16xf32> to vector<1xf32>
    %squeeze3A_325 = vector.extract %slice3A_324[0] : f32 from vector<1xf32>
    %broadcast_in_dim3A_326 = vector.broadcast %squeeze3A_325 : f32 to vector<16xf32>
    %swap3A_327 = arith.constant 35 : i32
    %swap3A_328 = arith.index_cast %swap3A_327 : i32 to index
    %swap3A_329 = arith.constant 0 : index
    %swap3A_330 = tpu.vector_load %arg10[%swap3A_328, %swap3A_329] {strides = array<i32>} : memref<64x128xf32, #tpu.memory_space<vmem>>, vector<1x16xf32>,
    %swap3A_331 = vector.shape_cast %swap3A_330 : vector<1x16xf32> to vector<16xf32>
    %swap3A_332 = vector.shape_cast %broadcast_in_dim3A_326 : vector<16xf32> to vector<1x16xf32>
    tpu.vector_store %arg10[%swap3A_328, %swap3A_329], %swap3A_332 {strides = array<i32>} : memref<64x128xf32, #tpu.memory_space<vmem>>, vector<1x16xf32>,
    %slice3A_333 = vector.extract_strided_slice %get3A_296 {offsets = [4], sizes = [1], strides = [1]} : vector<16xf32> to vector<1xf32>
    %squeeze3A_334 = vector.extract %slice3A_333[0] : f32 from vector<1xf32>
    %broadcast_in_dim3A_335 = vector.broadcast %squeeze3A_334 : f32 to vector<16xf32>
    %swap3A_336 = arith.constant 36 : i32
    %swap3A_337 = arith.index_cast %swap3A_336 : i32 to index
    %swap3A_338 = arith.constant 0 : index
    %swap3A_339 = tpu.vector_load %arg10[%swap3A_337, %swap3A_338] {strides = array<i32>} : memref<64x128xf32, #tpu.memory_space<vmem>>, vector<1x16xf32>,
    %swap3A_340 = vector.shape_cast %swap3A_339 : vector<1x16xf32> to vector<16xf32>
    %swap3A_341 = vector.shape_cast %broadcast_in_dim3A_335 : vector<16xf32> to vector<1x16xf32>
    tpu.vector_store %arg10[%swap3A_337, %swap3A_338], %swap3A_341 {strides = array<i32>} : memref<64x128xf32, #tpu.memory_space<vmem>>, vector<1x16xf32>,
    %slice3A_342 = vector.extract_strided_slice %get3A_296 {offsets = [5], sizes = [1], strides = [1]} : vector<16xf32> to vector<1xf32>
    %squeeze3A_343 = vector.extract %slice3A_342[0] : f32 from vector<1xf32>
    %broadcast_in_dim3A_344 = vector.broadcast %squeeze3A_343 : f32 to vector<16xf32>
    %swap3A_345 = arith.constant 37 : i32
    %swap3A_346 = arith.index_cast %swap3A_345 : i32 to index
    %swap3A_347 = arith.constant 0 : index
    %swap3A_348 = tpu.vector_load %arg10[%swap3A_346, %swap3A_347] {strides = array<i32>} : memref<64x128xf32, #tpu.memory_space<vmem>>, vector<1x16xf32>,
    %swap3A_349 = vector.shape_cast %swap3A_348 : vector<1x16xf32> to vector<16xf32>
    %swap3A_350 = vector.shape_cast %broadcast_in_dim3A_344 : vector<16xf32> to vector<1x16xf32>
    tpu.vector_store %arg10[%swap3A_346, %swap3A_347], %swap3A_350 {strides = array<i32>} : memref<64x128xf32, #tpu.memory_space<vmem>>, vector<1x16xf32>,
    %slice3A_351 = vector.extract_strided_slice %get3A_296 {offsets = [6], sizes = [1], strides = [1]} : vector<16xf32> to vector<1xf32>
    %squeeze3A_352 = vector.extract %slice3A_351[0] : f32 from vector<1xf32>
    %broadcast_in_dim3A_353 = vector.broadcast %squeeze3A_352 : f32 to vector<16xf32>
    %swap3A_354 = arith.constant 38 : i32
    %swap3A_355 = arith.index_cast %swap3A_354 : i32 to index
    %swap3A_356 = arith.constant 0 : index
    %swap3A_357 = tpu.vector_load %arg10[%swap3A_355, %swap3A_356] {strides = array<i32>} : memref<64x128xf32, #tpu.memory_space<vmem>>, vector<1x16xf32>,
    %swap3A_358 = vector.shape_cast %swap3A_357 : vector<1x16xf32> to vector<16xf32>
    %swap3A_359 = vector.shape_cast %broadcast_in_dim3A_353 : vector<16xf32> to vector<1x16xf32>
    tpu.vector_store %arg10[%swap3A_355, %swap3A_356], %swap3A_359 {strides = array<i32>} : memref<64x128xf32, #tpu.memory_space<vmem>>, vector<1x16xf32>,
    %slice3A_360 = vector.extract_strided_slice %get3A_296 {offsets = [7], sizes = [1], strides = [1]} : vector<16xf32> to vector<1xf32>
    %squeeze3A_361 = vector.extract %slice3A_360[0] : f32 from vector<1xf32>
    %broadcast_in_dim3A_362 = vector.broadcast %squeeze3A_361 : f32 to vector<16xf32>
    %swap3A_363 = arith.constant 39 : i32
    %swap3A_364 = arith.index_cast %swap3A_363 : i32 to index
    %swap3A_365 = arith.constant 0 : index
    %swap3A_366 = tpu.vector_load %arg10[%swap3A_364, %swap3A_365] {strides = array<i32>} : memref<64x128xf32, #tpu.memory_space<vmem>>, vector<1x16xf32>,
    %swap3A_367 = vector.shape_cast %swap3A_366 : vector<1x16xf32> to vector<16xf32>
    %swap3A_368 = vector.shape_cast %broadcast_in_dim3A_362 : vector<16xf32> to vector<1x16xf32>
    tpu.vector_store %arg10[%swap3A_364, %swap3A_365], %swap3A_368 {strides = array<i32>} : memref<64x128xf32, #tpu.memory_space<vmem>>, vector<1x16xf32>,
    %slice3A_369 = vector.extract_strided_slice %get3A_296 {offsets = [8], sizes = [1], strides = [1]} : vector<16xf32> to vector<1xf32>
    %squeeze3A_370 = vector.extract %slice3A_369[0] : f32 from vector<1xf32>
    %broadcast_in_dim3A_371 = vector.broadcast %squeeze3A_370 : f32 to vector<16xf32>
    %swap3A_372 = arith.constant 40 : i32
    %swap3A_373 = arith.index_cast %swap3A_372 : i32 to index
    %swap3A_374 = arith.constant 0 : index
    %swap3A_375 = tpu.vector_load %arg10[%swap3A_373, %swap3A_374] {strides = array<i32>} : memref<64x128xf32, #tpu.memory_space<vmem>>, vector<1x16xf32>,
    %swap3A_376 = vector.shape_cast %swap3A_375 : vector<1x16xf32> to vector<16xf32>
    %swap3A_377 = vector.shape_cast %broadcast_in_dim3A_371 : vector<16xf32> to vector<1x16xf32>
    tpu.vector_store %arg10[%swap3A_373, %swap3A_374], %swap3A_377 {strides = array<i32>} : memref<64x128xf32, #tpu.memory_space<vmem>>, vector<1x16xf32>,
    %slice3A_378 = vector.extract_strided_slice %get3A_296 {offsets = [9], sizes = [1], strides = [1]} : vector<16xf32> to vector<1xf32>
    %squeeze3A_379 = vector.extract %slice3A_378[0] : f32 from vector<1xf32>
    %broadcast_in_dim3A_380 = vector.broadcast %squeeze3A_379 : f32 to vector<16xf32>
    %swap3A_381 = arith.constant 41 : i32
    %swap3A_382 = arith.index_cast %swap3A_381 : i32 to index
    %swap3A_383 = arith.constant 0 : index
    %swap3A_384 = tpu.vector_load %arg10[%swap3A_382, %swap3A_383] {strides = array<i32>} : memref<64x128xf32, #tpu.memory_space<vmem>>, vector<1x16xf32>,
    %swap3A_385 = vector.shape_cast %swap3A_384 : vector<1x16xf32> to vector<16xf32>
    %swap3A_386 = vector.shape_cast %broadcast_in_dim3A_380 : vector<16xf32> to vector<1x16xf32>
    tpu.vector_store %arg10[%swap3A_382, %swap3A_383], %swap3A_386 {strides = array<i32>} : memref<64x128xf32, #tpu.memory_space<vmem>>, vector<1x16xf32>,
    %slice3A_387 = vector.extract_strided_slice %get3A_296 {offsets = [10], sizes = [1], strides = [1]} : vector<16xf32> to vector<1xf32>
    %squeeze3A_388 = vector.extract %slice3A_387[0] : f32 from vector<1xf32>
    %broadcast_in_dim3A_389 = vector.broadcast %squeeze3A_388 : f32 to vector<16xf32>
    %swap3A_390 = arith.constant 42 : i32
    %swap3A_391 = arith.index_cast %swap3A_390 : i32 to index
    %swap3A_392 = arith.constant 0 : index
    %swap3A_393 = tpu.vector_load %arg10[%swap3A_391, %swap3A_392] {strides = array<i32>} : memref<64x128xf32, #tpu.memory_space<vmem>>, vector<1x16xf32>,
    %swap3A_394 = vector.shape_cast %swap3A_393 : vector<1x16xf32> to vector<16xf32>
    %swap3A_395 = vector.shape_cast %broadcast_in_dim3A_389 : vector<16xf32> to vector<1x16xf32>
    tpu.vector_store %arg10[%swap3A_391, %swap3A_392], %swap3A_395 {strides = array<i32>} : memref<64x128xf32, #tpu.memory_space<vmem>>, vector<1x16xf32>,
    %slice3A_396 = vector.extract_strided_slice %get3A_296 {offsets = [11], sizes = [1], strides = [1]} : vector<16xf32> to vector<1xf32>
    %squeeze3A_397 = vector.extract %slice3A_396[0] : f32 from vector<1xf32>
    %broadcast_in_dim3A_398 = vector.broadcast %squeeze3A_397 : f32 to vector<16xf32>
    %swap3A_399 = arith.constant 43 : i32
    %swap3A_400 = arith.index_cast %swap3A_399 : i32 to index
    %swap3A_401 = arith.constant 0 : index
    %swap3A_402 = tpu.vector_load %arg10[%swap3A_400, %swap3A_401] {strides = array<i32>} : memref<64x128xf32, #tpu.memory_space<vmem>>, vector<1x16xf32>,
    %swap3A_403 = vector.shape_cast %swap3A_402 : vector<1x16xf32> to vector<16xf32>
    %swap3A_404 = vector.shape_cast %broadcast_in_dim3A_398 : vector<16xf32> to vector<1x16xf32>
    tpu.vector_store %arg10[%swap3A_400, %swap3A_401], %swap3A_404 {strides = array<i32>} : memref<64x128xf32, #tpu.memory_space<vmem>>, vector<1x16xf32>,
    %slice3A_405 = vector.extract_strided_slice %get3A_296 {offsets = [12], sizes = [1], strides = [1]} : vector<16xf32> to vector<1xf32>
    %squeeze3A_406 = vector.extract %slice3A_405[0] : f32 from vector<1xf32>
    %broadcast_in_dim3A_407 = vector.broadcast %squeeze3A_406 : f32 to vector<16xf32>
    %swap3A_408 = arith.constant 44 : i32
    %swap3A_409 = arith.index_cast %swap3A_408 : i32 to index
    %swap3A_410 = arith.constant 0 : index
    %swap3A_411 = tpu.vector_load %arg10[%swap3A_409, %swap3A_410] {strides = array<i32>} : memref<64x128xf32, #tpu.memory_space<vmem>>, vector<1x16xf32>,
    %swap3A_412 = vector.shape_cast %swap3A_411 : vector<1x16xf32> to vector<16xf32>
    %swap3A_413 = vector.shape_cast %broadcast_in_dim3A_407 : vector<16xf32> to vector<1x16xf32>
    tpu.vector_store %arg10[%swap3A_409, %swap3A_410], %swap3A_413 {strides = array<i32>} : memref<64x128xf32, #tpu.memory_space<vmem>>, vector<1x16xf32>,
    %slice3A_414 = vector.extract_strided_slice %get3A_296 {offsets = [13], sizes = [1], strides = [1]} : vector<16xf32> to vector<1xf32>
    %squeeze3A_415 = vector.extract %slice3A_414[0] : f32 from vector<1xf32>
    %broadcast_in_dim3A_416 = vector.broadcast %squeeze3A_415 : f32 to vector<16xf32>
    %swap3A_417 = arith.constant 45 : i32
    %swap3A_418 = arith.index_cast %swap3A_417 : i32 to index
    %swap3A_419 = arith.constant 0 : index
    %swap3A_420 = tpu.vector_load %arg10[%swap3A_418, %swap3A_419] {strides = array<i32>} : memref<64x128xf32, #tpu.memory_space<vmem>>, vector<1x16xf32>,
    %swap3A_421 = vector.shape_cast %swap3A_420 : vector<1x16xf32> to vector<16xf32>
    %swap3A_422 = vector.shape_cast %broadcast_in_dim3A_416 : vector<16xf32> to vector<1x16xf32>
    tpu.vector_store %arg10[%swap3A_418, %swap3A_419], %swap3A_422 {strides = array<i32>} : memref<64x128xf32, #tpu.memory_space<vmem>>, vector<1x16xf32>,
    %slice3A_423 = vector.extract_strided_slice %get3A_296 {offsets = [14], sizes = [1], strides = [1]} : vector<16xf32> to vector<1xf32>
    %squeeze3A_424 = vector.extract %slice3A_423[0] : f32 from vector<1xf32>
    %broadcast_in_dim3A_425 = vector.broadcast %squeeze3A_424 : f32 to vector<16xf32>
    %swap3A_426 = arith.constant 46 : i32
    %swap3A_427 = arith.index_cast %swap3A_426 : i32 to index
    %swap3A_428 = arith.constant 0 : index
    %swap3A_429 = tpu.vector_load %arg10[%swap3A_427, %swap3A_428] {strides = array<i32>} : memref<64x128xf32, #tpu.memory_space<vmem>>, vector<1x16xf32>,
    %swap3A_430 = vector.shape_cast %swap3A_429 : vector<1x16xf32> to vector<16xf32>
    %swap3A_431 = vector.shape_cast %broadcast_in_dim3A_425 : vector<16xf32> to vector<1x16xf32>
    tpu.vector_store %arg10[%swap3A_427, %swap3A_428], %swap3A_431 {strides = array<i32>} : memref<64x128xf32, #tpu.memory_space<vmem>>, vector<1x16xf32>,
    %slice3A_432 = vector.extract_strided_slice %get3A_296 {offsets = [15], sizes = [1], strides = [1]} : vector<16xf32> to vector<1xf32>
    %squeeze3A_433 = vector.extract %slice3A_432[0] : f32 from vector<1xf32>
    %broadcast_in_dim3A_434 = vector.broadcast %squeeze3A_433 : f32 to vector<16xf32>
    %swap3A_435 = arith.constant 47 : i32
    %swap3A_436 = arith.index_cast %swap3A_435 : i32 to index
    %swap3A_437 = arith.constant 0 : index
    %swap3A_438 = tpu.vector_load %arg10[%swap3A_436, %swap3A_437] {strides = array<i32>} : memref<64x128xf32, #tpu.memory_space<vmem>>, vector<1x16xf32>,
    %swap3A_439 = vector.shape_cast %swap3A_438 : vector<1x16xf32> to vector<16xf32>
    %swap3A_440 = vector.shape_cast %broadcast_in_dim3A_434 : vector<16xf32> to vector<1x16xf32>
    tpu.vector_store %arg10[%swap3A_436, %swap3A_437], %swap3A_440 {strides = array<i32>} : memref<64x128xf32, #tpu.memory_space<vmem>>, vector<1x16xf32>,
    %get3A_441 = arith.constant 48 : index
    %get3A_442 = tpu.vector_load %arg9[%get3A_441] {strides = array<i32>} : memref<64xf32, #tpu.memory_space<vmem>>, vector<16xf32>,
    %get3A_443 = vector.shape_cast %get3A_442 : vector<16xf32> to vector<16xf32>
    %slice3A_444 = vector.extract_strided_slice %get3A_443 {offsets = [0], sizes = [1], strides = [1]} : vector<16xf32> to vector<1xf32>
    %squeeze3A_445 = vector.extract %slice3A_444[0] : f32 from vector<1xf32>
    %broadcast_in_dim3A_446 = vector.broadcast %squeeze3A_445 : f32 to vector<16xf32>
    %swap3A_447 = arith.constant 48 : i32
    %swap3A_448 = arith.index_cast %swap3A_447 : i32 to index
    %swap3A_449 = arith.constant 0 : index
    %swap3A_450 = tpu.vector_load %arg10[%swap3A_448, %swap3A_449] {strides = array<i32>} : memref<64x128xf32, #tpu.memory_space<vmem>>, vector<1x16xf32>,
    %swap3A_451 = vector.shape_cast %swap3A_450 : vector<1x16xf32> to vector<16xf32>
    %swap3A_452 = vector.shape_cast %broadcast_in_dim3A_446 : vector<16xf32> to vector<1x16xf32>
    tpu.vector_store %arg10[%swap3A_448, %swap3A_449], %swap3A_452 {strides = array<i32>} : memref<64x128xf32, #tpu.memory_space<vmem>>, vector<1x16xf32>,
    %slice3A_453 = vector.extract_strided_slice %get3A_443 {offsets = [1], sizes = [1], strides = [1]} : vector<16xf32> to vector<1xf32>
    %squeeze3A_454 = vector.extract %slice3A_453[0] : f32 from vector<1xf32>
    %broadcast_in_dim3A_455 = vector.broadcast %squeeze3A_454 : f32 to vector<16xf32>
    %swap3A_456 = arith.constant 49 : i32
    %swap3A_457 = arith.index_cast %swap3A_456 : i32 to index
    %swap3A_458 = arith.constant 0 : index
    %swap3A_459 = tpu.vector_load %arg10[%swap3A_457, %swap3A_458] {strides = array<i32>} : memref<64x128xf32, #tpu.memory_space<vmem>>, vector<1x16xf32>,
    %swap3A_460 = vector.shape_cast %swap3A_459 : vector<1x16xf32> to vector<16xf32>
    %swap3A_461 = vector.shape_cast %broadcast_in_dim3A_455 : vector<16xf32> to vector<1x16xf32>
    tpu.vector_store %arg10[%swap3A_457, %swap3A_458], %swap3A_461 {strides = array<i32>} : memref<64x128xf32, #tpu.memory_space<vmem>>, vector<1x16xf32>,
    %slice3A_462 = vector.extract_strided_slice %get3A_443 {offsets = [2], sizes = [1], strides = [1]} : vector<16xf32> to vector<1xf32>
    %squeeze3A_463 = vector.extract %slice3A_462[0] : f32 from vector<1xf32>
    %broadcast_in_dim3A_464 = vector.broadcast %squeeze3A_463 : f32 to vector<16xf32>
    %swap3A_465 = arith.constant 50 : i32
    %swap3A_466 = arith.index_cast %swap3A_465 : i32 to index
    %swap3A_467 = arith.constant 0 : index
    %swap3A_468 = tpu.vector_load %arg10[%swap3A_466, %swap3A_467] {strides = array<i32>} : memref<64x128xf32, #tpu.memory_space<vmem>>, vector<1x16xf32>,
    %swap3A_469 = vector.shape_cast %swap3A_468 : vector<1x16xf32> to vector<16xf32>
    %swap3A_470 = vector.shape_cast %broadcast_in_dim3A_464 : vector<16xf32> to vector<1x16xf32>
    tpu.vector_store %arg10[%swap3A_466, %swap3A_467], %swap3A_470 {strides = array<i32>} : memref<64x128xf32, #tpu.memory_space<vmem>>, vector<1x16xf32>,
    %slice3A_471 = vector.extract_strided_slice %get3A_443 {offsets = [3], sizes = [1], strides = [1]} : vector<16xf32> to vector<1xf32>
    %squeeze3A_472 = vector.extract %slice3A_471[0] : f32 from vector<1xf32>
    %broadcast_in_dim3A_473 = vector.broadcast %squeeze3A_472 : f32 to vector<16xf32>
    %swap3A_474 = arith.constant 51 : i32
    %swap3A_475 = arith.index_cast %swap3A_474 : i32 to index
    %swap3A_476 = arith.constant 0 : index
    %swap3A_477 = tpu.vector_load %arg10[%swap3A_475, %swap3A_476] {strides = array<i32>} : memref<64x128xf32, #tpu.memory_space<vmem>>, vector<1x16xf32>,
    %swap3A_478 = vector.shape_cast %swap3A_477 : vector<1x16xf32> to vector<16xf32>
    %swap3A_479 = vector.shape_cast %broadcast_in_dim3A_473 : vector<16xf32> to vector<1x16xf32>
    tpu.vector_store %arg10[%swap3A_475, %swap3A_476], %swap3A_479 {strides = array<i32>} : memref<64x128xf32, #tpu.memory_space<vmem>>, vector<1x16xf32>,
    %slice3A_480 = vector.extract_strided_slice %get3A_443 {offsets = [4], sizes = [1], strides = [1]} : vector<16xf32> to vector<1xf32>
    %squeeze3A_481 = vector.extract %slice3A_480[0] : f32 from vector<1xf32>
    %broadcast_in_dim3A_482 = vector.broadcast %squeeze3A_481 : f32 to vector<16xf32>
    %swap3A_483 = arith.constant 52 : i32
    %swap3A_484 = arith.index_cast %swap3A_483 : i32 to index
    %swap3A_485 = arith.constant 0 : index
    %swap3A_486 = tpu.vector_load %arg10[%swap3A_484, %swap3A_485] {strides = array<i32>} : memref<64x128xf32, #tpu.memory_space<vmem>>, vector<1x16xf32>,
    %swap3A_487 = vector.shape_cast %swap3A_486 : vector<1x16xf32> to vector<16xf32>
    %swap3A_488 = vector.shape_cast %broadcast_in_dim3A_482 : vector<16xf32> to vector<1x16xf32>
    tpu.vector_store %arg10[%swap3A_484, %swap3A_485], %swap3A_488 {strides = array<i32>} : memref<64x128xf32, #tpu.memory_space<vmem>>, vector<1x16xf32>,
    %slice3A_489 = vector.extract_strided_slice %get3A_443 {offsets = [5], sizes = [1], strides = [1]} : vector<16xf32> to vector<1xf32>
    %squeeze3A_490 = vector.extract %slice3A_489[0] : f32 from vector<1xf32>
    %broadcast_in_dim3A_491 = vector.broadcast %squeeze3A_490 : f32 to vector<16xf32>
    %swap3A_492 = arith.constant 53 : i32
    %swap3A_493 = arith.index_cast %swap3A_492 : i32 to index
    %swap3A_494 = arith.constant 0 : index
    %swap3A_495 = tpu.vector_load %arg10[%swap3A_493, %swap3A_494] {strides = array<i32>} : memref<64x128xf32, #tpu.memory_space<vmem>>, vector<1x16xf32>,
    %swap3A_496 = vector.shape_cast %swap3A_495 : vector<1x16xf32> to vector<16xf32>
    %swap3A_497 = vector.shape_cast %broadcast_in_dim3A_491 : vector<16xf32> to vector<1x16xf32>
    tpu.vector_store %arg10[%swap3A_493, %swap3A_494], %swap3A_497 {strides = array<i32>} : memref<64x128xf32, #tpu.memory_space<vmem>>, vector<1x16xf32>,
    %slice3A_498 = vector.extract_strided_slice %get3A_443 {offsets = [6], sizes = [1], strides = [1]} : vector<16xf32> to vector<1xf32>
    %squeeze3A_499 = vector.extract %slice3A_498[0] : f32 from vector<1xf32>
    %broadcast_in_dim3A_500 = vector.broadcast %squeeze3A_499 : f32 to vector<16xf32>
    %swap3A_501 = arith.constant 54 : i32
    %swap3A_502 = arith.index_cast %swap3A_501 : i32 to index
    %swap3A_503 = arith.constant 0 : index
    %swap3A_504 = tpu.vector_load %arg10[%swap3A_502, %swap3A_503] {strides = array<i32>} : memref<64x128xf32, #tpu.memory_space<vmem>>, vector<1x16xf32>,
    %swap3A_505 = vector.shape_cast %swap3A_504 : vector<1x16xf32> to vector<16xf32>
    %swap3A_506 = vector.shape_cast %broadcast_in_dim3A_500 : vector<16xf32> to vector<1x16xf32>
    tpu.vector_store %arg10[%swap3A_502, %swap3A_503], %swap3A_506 {strides = array<i32>} : memref<64x128xf32, #tpu.memory_space<vmem>>, vector<1x16xf32>,
    %slice3A_507 = vector.extract_strided_slice %get3A_443 {offsets = [7], sizes = [1], strides = [1]} : vector<16xf32> to vector<1xf32>
    %squeeze3A_508 = vector.extract %slice3A_507[0] : f32 from vector<1xf32>
    %broadcast_in_dim3A_509 = vector.broadcast %squeeze3A_508 : f32 to vector<16xf32>
    %swap3A_510 = arith.constant 55 : i32
    %swap3A_511 = arith.index_cast %swap3A_510 : i32 to index
    %swap3A_512 = arith.constant 0 : index
    %swap3A_513 = tpu.vector_load %arg10[%swap3A_511, %swap3A_512] {strides = array<i32>} : memref<64x128xf32, #tpu.memory_space<vmem>>, vector<1x16xf32>,
    %swap3A_514 = vector.shape_cast %swap3A_513 : vector<1x16xf32> to vector<16xf32>
    %swap3A_515 = vector.shape_cast %broadcast_in_dim3A_509 : vector<16xf32> to vector<1x16xf32>
    tpu.vector_store %arg10[%swap3A_511, %swap3A_512], %swap3A_515 {strides = array<i32>} : memref<64x128xf32, #tpu.memory_space<vmem>>, vector<1x16xf32>,
    %slice3A_516 = vector.extract_strided_slice %get3A_443 {offsets = [8], sizes = [1], strides = [1]} : vector<16xf32> to vector<1xf32>
    %squeeze3A_517 = vector.extract %slice3A_516[0] : f32 from vector<1xf32>
    %broadcast_in_dim3A_518 = vector.broadcast %squeeze3A_517 : f32 to vector<16xf32>
    %swap3A_519 = arith.constant 56 : i32
    %swap3A_520 = arith.index_cast %swap3A_519 : i32 to index
    %swap3A_521 = arith.constant 0 : index
    %swap3A_522 = tpu.vector_load %arg10[%swap3A_520, %swap3A_521] {strides = array<i32>} : memref<64x128xf32, #tpu.memory_space<vmem>>, vector<1x16xf32>,
    %swap3A_523 = vector.shape_cast %swap3A_522 : vector<1x16xf32> to vector<16xf32>
    %swap3A_524 = vector.shape_cast %broadcast_in_dim3A_518 : vector<16xf32> to vector<1x16xf32>
    tpu.vector_store %arg10[%swap3A_520, %swap3A_521], %swap3A_524 {strides = array<i32>} : memref<64x128xf32, #tpu.memory_space<vmem>>, vector<1x16xf32>,
    %slice3A_525 = vector.extract_strided_slice %get3A_443 {offsets = [9], sizes = [1], strides = [1]} : vector<16xf32> to vector<1xf32>
    %squeeze3A_526 = vector.extract %slice3A_525[0] : f32 from vector<1xf32>
    %broadcast_in_dim3A_527 = vector.broadcast %squeeze3A_526 : f32 to vector<16xf32>
    %swap3A_528 = arith.constant 57 : i32
    %swap3A_529 = arith.index_cast %swap3A_528 : i32 to index
    %swap3A_530 = arith.constant 0 : index
    %swap3A_531 = tpu.vector_load %arg10[%swap3A_529, %swap3A_530] {strides = array<i32>} : memref<64x128xf32, #tpu.memory_space<vmem>>, vector<1x16xf32>,
    %swap3A_532 = vector.shape_cast %swap3A_531 : vector<1x16xf32> to vector<16xf32>
    %swap3A_533 = vector.shape_cast %broadcast_in_dim3A_527 : vector<16xf32> to vector<1x16xf32>
    tpu.vector_store %arg10[%swap3A_529, %swap3A_530], %swap3A_533 {strides = array<i32>} : memref<64x128xf32, #tpu.memory_space<vmem>>, vector<1x16xf32>,
    %slice3A_534 = vector.extract_strided_slice %get3A_443 {offsets = [10], sizes = [1], strides = [1]} : vector<16xf32> to vector<1xf32>
    %squeeze3A_535 = vector.extract %slice3A_534[0] : f32 from vector<1xf32>
    %broadcast_in_dim3A_536 = vector.broadcast %squeeze3A_535 : f32 to vector<16xf32>
    %swap3A_537 = arith.constant 58 : i32
    %swap3A_538 = arith.index_cast %swap3A_537 : i32 to index
    %swap3A_539 = arith.constant 0 : index
    %swap3A_540 = tpu.vector_load %arg10[%swap3A_538, %swap3A_539] {strides = array<i32>} : memref<64x128xf32, #tpu.memory_space<vmem>>, vector<1x16xf32>,
    %swap3A_541 = vector.shape_cast %swap3A_540 : vector<1x16xf32> to vector<16xf32>
    %swap3A_542 = vector.shape_cast %broadcast_in_dim3A_536 : vector<16xf32> to vector<1x16xf32>
    tpu.vector_store %arg10[%swap3A_538, %swap3A_539], %swap3A_542 {strides = array<i32>} : memref<64x128xf32, #tpu.memory_space<vmem>>, vector<1x16xf32>,
    %slice3A_543 = vector.extract_strided_slice %get3A_443 {offsets = [11], sizes = [1], strides = [1]} : vector<16xf32> to vector<1xf32>
    %squeeze3A_544 = vector.extract %slice3A_543[0] : f32 from vector<1xf32>
    %broadcast_in_dim3A_545 = vector.broadcast %squeeze3A_544 : f32 to vector<16xf32>
    %swap3A_546 = arith.constant 59 : i32
    %swap3A_547 = arith.index_cast %swap3A_546 : i32 to index
    %swap3A_548 = arith.constant 0 : index
    %swap3A_549 = tpu.vector_load %arg10[%swap3A_547, %swap3A_548] {strides = array<i32>} : memref<64x128xf32, #tpu.memory_space<vmem>>, vector<1x16xf32>,
    %swap3A_550 = vector.shape_cast %swap3A_549 : vector<1x16xf32> to vector<16xf32>
    %swap3A_551 = vector.shape_cast %broadcast_in_dim3A_545 : vector<16xf32> to vector<1x16xf32>
    tpu.vector_store %arg10[%swap3A_547, %swap3A_548], %swap3A_551 {strides = array<i32>} : memref<64x128xf32, #tpu.memory_space<vmem>>, vector<1x16xf32>,
    %slice3A_552 = vector.extract_strided_slice %get3A_443 {offsets = [12], sizes = [1], strides = [1]} : vector<16xf32> to vector<1xf32>
    %squeeze3A_553 = vector.extract %slice3A_552[0] : f32 from vector<1xf32>
    %broadcast_in_dim3A_554 = vector.broadcast %squeeze3A_553 : f32 to vector<16xf32>
    %swap3A_555 = arith.constant 60 : i32
    %swap3A_556 = arith.index_cast %swap3A_555 : i32 to index
    %swap3A_557 = arith.constant 0 : index
    %swap3A_558 = tpu.vector_load %arg10[%swap3A_556, %swap3A_557] {strides = array<i32>} : memref<64x128xf32, #tpu.memory_space<vmem>>, vector<1x16xf32>,
    %swap3A_559 = vector.shape_cast %swap3A_558 : vector<1x16xf32> to vector<16xf32>
    %swap3A_560 = vector.shape_cast %broadcast_in_dim3A_554 : vector<16xf32> to vector<1x16xf32>
    tpu.vector_store %arg10[%swap3A_556, %swap3A_557], %swap3A_560 {strides = array<i32>} : memref<64x128xf32, #tpu.memory_space<vmem>>, vector<1x16xf32>,
    %slice3A_561 = vector.extract_strided_slice %get3A_443 {offsets = [13], sizes = [1], strides = [1]} : vector<16xf32> to vector<1xf32>
    %squeeze3A_562 = vector.extract %slice3A_561[0] : f32 from vector<1xf32>
    %broadcast_in_dim3A_563 = vector.broadcast %squeeze3A_562 : f32 to vector<16xf32>
    %swap3A_564 = arith.constant 61 : i32
    %swap3A_565 = arith.index_cast %swap3A_564 : i32 to index
    %swap3A_566 = arith.constant 0 : index
    %swap3A_567 = tpu.vector_load %arg10[%swap3A_565, %swap3A_566] {strides = array<i32>} : memref<64x128xf32, #tpu.memory_space<vmem>>, vector<1x16xf32>,
    %swap3A_568 = vector.shape_cast %swap3A_567 : vector<1x16xf32> to vector<16xf32>
    %swap3A_569 = vector.shape_cast %broadcast_in_dim3A_563 : vector<16xf32> to vector<1x16xf32>
    tpu.vector_store %arg10[%swap3A_565, %swap3A_566], %swap3A_569 {strides = array<i32>} : memref<64x128xf32, #tpu.memory_space<vmem>>, vector<1x16xf32>,
    %slice3A_570 = vector.extract_strided_slice %get3A_443 {offsets = [14], sizes = [1], strides = [1]} : vector<16xf32> to vector<1xf32>
    %squeeze3A_571 = vector.extract %slice3A_570[0] : f32 from vector<1xf32>
    %broadcast_in_dim3A_572 = vector.broadcast %squeeze3A_571 : f32 to vector<16xf32>
    %swap3A_573 = arith.constant 62 : i32
    %swap3A_574 = arith.index_cast %swap3A_573 : i32 to index
    %swap3A_575 = arith.constant 0 : index
    %swap3A_576 = tpu.vector_load %arg10[%swap3A_574, %swap3A_575] {strides = array<i32>} : memref<64x128xf32, #tpu.memory_space<vmem>>, vector<1x16xf32>,
    %swap3A_577 = vector.shape_cast %swap3A_576 : vector<1x16xf32> to vector<16xf32>
    %swap3A_578 = vector.shape_cast %broadcast_in_dim3A_572 : vector<16xf32> to vector<1x16xf32>
    tpu.vector_store %arg10[%swap3A_574, %swap3A_575], %swap3A_578 {strides = array<i32>} : memref<64x128xf32, #tpu.memory_space<vmem>>, vector<1x16xf32>,
    %slice3A_579 = vector.extract_strided_slice %get3A_443 {offsets = [15], sizes = [1], strides = [1]} : vector<16xf32> to vector<1xf32>
    %squeeze3A_580 = vector.extract %slice3A_579[0] : f32 from vector<1xf32>
    %broadcast_in_dim3A_581 = vector.broadcast %squeeze3A_580 : f32 to vector<16xf32>
    %swap3A_582 = arith.constant 63 : i32
    %swap3A_583 = arith.index_cast %swap3A_582 : i32 to index
    %swap3A_584 = arith.constant 0 : index
    %swap3A_585 = tpu.vector_load %arg10[%swap3A_583, %swap3A_584] {strides = array<i32>} : memref<64x128xf32, #tpu.memory_space<vmem>>, vector<1x16xf32>,
    %swap3A_586 = vector.shape_cast %swap3A_585 : vector<1x16xf32> to vector<16xf32>
    %swap3A_587 = vector.shape_cast %broadcast_in_dim3A_581 : vector<16xf32> to vector<1x16xf32>
    tpu.vector_store %arg10[%swap3A_583, %swap3A_584], %swap3A_587 {strides = array<i32>} : memref<64x128xf32, #tpu.memory_space<vmem>>, vector<1x16xf32>,
    %dma_wait3A = arith.constant 0 : i32
    %dma_wait3A_588 = arith.constant 0 : i32
    %dma_wait3A_589 = tpu.memref_slice %arg5[%dma_wait3A, %dma_wait3A_588] : memref<4064x1024xf32, #tpu.memory_space<hbm>> -> memref<4064x1024xf32, #tpu.memory_space<hbm>>
    tpu.wait_indirect_dma semaphore(%arg11 : memref<!tpu.dma_semaphore, #tpu.memory_space<semaphore_mem>>) src(%arg8 : memref<64x1024xf32, #tpu.memory_space<vmem>>) dst(%dma_wait3A_589 : memref<4064x1024xf32, #tpu.memory_space<hbm>>)
    %dma_start3A_590 = arith.constant 0 : i32
    %dma_start3A_591 = arith.constant 0 : i32
    %dma_start3A_592 = tpu.memref_slice %arg6[%dma_start3A_590, %dma_start3A_591] : memref<4064x128xf32, #tpu.memory_space<hbm>> -> memref<4064x128xf32, #tpu.memory_space<hbm>>
    tpu.enqueue_indirect_dma source(%arg10 : memref<64x128xf32, #tpu.memory_space<vmem>>) target(%dma_start3A_592 : memref<4064x128xf32, #tpu.memory_space<hbm>>) offsets(%arg7 : memref<64xi32, #tpu.memory_space<vmem>>) semaphore(%arg11 : memref<!tpu.dma_semaphore, #tpu.memory_space<semaphore_mem>>)
    %dma_wait3A_593 = arith.constant 0 : i32
    %dma_wait3A_594 = arith.constant 0 : i32
    %dma_wait3A_595 = tpu.memref_slice %arg6[%dma_wait3A_593, %dma_wait3A_594] : memref<4064x128xf32, #tpu.memory_space<hbm>> -> memref<4064x128xf32, #tpu.memory_space<hbm>>
    tpu.wait_indirect_dma semaphore(%arg11 : memref<!tpu.dma_semaphore, #tpu.memory_space<semaphore_mem>>) src(%arg10 : memref<64x128xf32, #tpu.memory_space<vmem>>) dst(%dma_wait3A_595 : memref<4064x128xf32, #tpu.memory_space<hbm>>)
    return
  }
}

module attributes {stable_mosaic.version = 14 : i64} {
  func.func @_router_body(%arg0: memref<2048x1024xf32, #tpu.memory_space<vmem>>, %arg1: memref<1024x64xf32, #tpu.memory_space<vmem>>, %arg2: memref<1x64xf32, #tpu.memory_space<vmem>>, %arg3: memref<2048x1xi32, #tpu.memory_space<vmem>>, %arg4: memref<2048x1xf32, #tpu.memory_space<vmem>>, %arg5: memref<128x1xi32, #tpu.memory_space<vmem>>) attributes {dimension_semantics = [], scalar_prefetch = 0 : i64, scratch_operands = 0 : i64, tpu.core_type = #tpu.core_type<tc>} {
    %get3A = arith.constant 0 : index
    %get3A_0 = arith.constant 0 : index
    %get3A_1 = vector.load %arg0[%get3A, %get3A_0] : memref<2048x1024xf32, #tpu.memory_space<vmem>>, vector<2048x1024xf32>
    %get3A_2 = arith.constant 0 : index
    %get3A_3 = arith.constant 0 : index
    %get3A_4 = vector.load %arg1[%get3A_2, %get3A_3] : memref<1024x64xf32, #tpu.memory_space<vmem>>, vector<1024x64xf32>
    %dot_general3A = arith.constant dense<0.000000e+00> : vector<2048x64xf32>
    %dot_general3A_5 = tpu.matmul %get3A_1, %get3A_4, %dot_general3A {dimension_numbers = #tpu.dot_dimension_numbers<[1], [0], [0], [1], [0, 0, 1, 1], [], []>, transpose_lhs_hint = false} : vector<2048x1024xf32>, vector<1024x64xf32>, vector<2048x64xf32> -> vector<2048x64xf32>
    %get3A_6 = arith.constant 0 : index
    %get3A_7 = arith.constant 0 : index
    %get3A_8 = vector.load %arg2[%get3A_6, %get3A_7] : memref<1x64xf32, #tpu.memory_space<vmem>>, vector<1x64xf32>
    %add3A = vector.broadcast %get3A_8 : vector<1x64xf32> to vector<2048x64xf32>
    %add3A_9 = arith.addf %dot_general3A_5, %add3A : vector<2048x64xf32>
    %reduce_max3A = arith.constant dense<0xFF800000> : vector<2048xf32>
    %reduce_max3A_10 = vector.multi_reduction <maximumf>, %add3A_9, %reduce_max3A [1] : vector<2048x64xf32> to vector<2048xf32>
    %broadcast_in_dim3A = vector.shape_cast %reduce_max3A_10 : vector<2048xf32> to vector<2048x1xf32>
    %sub3A = vector.broadcast %broadcast_in_dim3A : vector<2048x1xf32> to vector<2048x64xf32>
    %sub3A_11 = arith.subf %add3A_9, %sub3A : vector<2048x64xf32>
    %exp3A = math.exp %sub3A_11 : vector<2048x64xf32>
    %reduce_sum3A = arith.constant dense<0.000000e+00> : vector<2048xf32>
    %reduce_sum3A_12 = vector.multi_reduction <add>, %exp3A, %reduce_sum3A [1] : vector<2048x64xf32> to vector<2048xf32>
    %broadcast_in_dim3A_13 = vector.shape_cast %reduce_sum3A_12 : vector<2048xf32> to vector<2048x1xf32>
    %div3A = arith.constant 1.000000e+00 : f32
    %div3A_14 = vector.broadcast %div3A : f32 to vector<2048x1xf32>
    %div3A_15 = arith.divf %div3A_14, %broadcast_in_dim3A_13 : vector<2048x1xf32>
    %iota3A = tpu.iota {dimensions = array<i32: 1>} : vector<2048x64xi32>
    %eq3A = vector.broadcast %broadcast_in_dim3A : vector<2048x1xf32> to vector<2048x64xf32>
    %eq3A_16 = arith.cmpf oeq, %add3A_9, %eq3A : vector<2048x64xf32>
    %jit3A = arith.constant 64 : i32
    %broadcast_in_dim3A_17 = vector.broadcast %jit3A : i32 to vector<2048x64xi32>
    %select_n3A = arith.select %eq3A_16, %iota3A, %broadcast_in_dim3A_17 : vector<2048x64xi1>, vector<2048x64xi32>
    %reduce_min3A = arith.constant dense<2147483647> : vector<2048xi32>
    %reduce_min3A_18 = vector.multi_reduction <minsi>, %select_n3A, %reduce_min3A [1] : vector<2048x64xi32> to vector<2048xi32>
    %broadcast_in_dim3A_19 = vector.shape_cast %reduce_min3A_18 : vector<2048xi32> to vector<2048x1xi32>
    %eq3A_20 = vector.broadcast %broadcast_in_dim3A_19 : vector<2048x1xi32> to vector<2048x64xi32>
    %eq3A_21 = arith.cmpi eq, %iota3A, %eq3A_20 : vector<2048x64xi32>
    %convert_element_type3A = arith.extui %eq3A_21 : vector<2048x64xi1> to vector<2048x64xi32>
    %broadcast_in_dim3A_22 = arith.constant 0 : i32
    %broadcast_in_dim3A_23 = vector.broadcast %broadcast_in_dim3A_22 : i32 to vector<1x64xi32>
    %slice3A = vector.extract_strided_slice %convert_element_type3A {offsets = [0, 0], sizes = [2047, 64], strides = [1, 1]} : vector<2048x64xi32> to vector<2047x64xi32>
    %concatenate3A = tpu.concatenate %broadcast_in_dim3A_23, %slice3A in 0 : vector<1x64xi32>, vector<2047x64xi32> -> vector<2048x64xi32>
    %add3A_24 = arith.addi %convert_element_type3A, %concatenate3A : vector<2048x64xi32>
    %broadcast_in_dim3A_25 = arith.constant 0 : i32
    %broadcast_in_dim3A_26 = vector.broadcast %broadcast_in_dim3A_25 : i32 to vector<2x64xi32>
    %slice3A_27 = vector.extract_strided_slice %add3A_24 {offsets = [0, 0], sizes = [2046, 64], strides = [1, 1]} : vector<2048x64xi32> to vector<2046x64xi32>
    %concatenate3A_28 = tpu.concatenate %broadcast_in_dim3A_26, %slice3A_27 in 0 : vector<2x64xi32>, vector<2046x64xi32> -> vector<2048x64xi32>
    %add3A_29 = arith.addi %add3A_24, %concatenate3A_28 : vector<2048x64xi32>
    %broadcast_in_dim3A_30 = arith.constant 0 : i32
    %broadcast_in_dim3A_31 = vector.broadcast %broadcast_in_dim3A_30 : i32 to vector<4x64xi32>
    %slice3A_32 = vector.extract_strided_slice %add3A_29 {offsets = [0, 0], sizes = [2044, 64], strides = [1, 1]} : vector<2048x64xi32> to vector<2044x64xi32>
    %concatenate3A_33 = tpu.concatenate %broadcast_in_dim3A_31, %slice3A_32 in 0 : vector<4x64xi32>, vector<2044x64xi32> -> vector<2048x64xi32>
    %add3A_34 = arith.addi %add3A_29, %concatenate3A_33 : vector<2048x64xi32>
    %broadcast_in_dim3A_35 = arith.constant 0 : i32
    %broadcast_in_dim3A_36 = vector.broadcast %broadcast_in_dim3A_35 : i32 to vector<8x64xi32>
    %slice3A_37 = vector.extract_strided_slice %add3A_34 {offsets = [0, 0], sizes = [2040, 64], strides = [1, 1]} : vector<2048x64xi32> to vector<2040x64xi32>
    %concatenate3A_38 = tpu.concatenate %broadcast_in_dim3A_36, %slice3A_37 in 0 : vector<8x64xi32>, vector<2040x64xi32> -> vector<2048x64xi32>
    %add3A_39 = arith.addi %add3A_34, %concatenate3A_38 : vector<2048x64xi32>
    %broadcast_in_dim3A_40 = arith.constant 0 : i32
    %broadcast_in_dim3A_41 = vector.broadcast %broadcast_in_dim3A_40 : i32 to vector<16x64xi32>
    %slice3A_42 = vector.extract_strided_slice %add3A_39 {offsets = [0, 0], sizes = [2032, 64], strides = [1, 1]} : vector<2048x64xi32> to vector<2032x64xi32>
    %concatenate3A_43 = tpu.concatenate %broadcast_in_dim3A_41, %slice3A_42 in 0 : vector<16x64xi32>, vector<2032x64xi32> -> vector<2048x64xi32>
    %add3A_44 = arith.addi %add3A_39, %concatenate3A_43 : vector<2048x64xi32>
    %broadcast_in_dim3A_45 = arith.constant 0 : i32
    %broadcast_in_dim3A_46 = vector.broadcast %broadcast_in_dim3A_45 : i32 to vector<32x64xi32>
    %slice3A_47 = vector.extract_strided_slice %add3A_44 {offsets = [0, 0], sizes = [2016, 64], strides = [1, 1]} : vector<2048x64xi32> to vector<2016x64xi32>
    %concatenate3A_48 = tpu.concatenate %broadcast_in_dim3A_46, %slice3A_47 in 0 : vector<32x64xi32>, vector<2016x64xi32> -> vector<2048x64xi32>
    %add3A_49 = arith.addi %add3A_44, %concatenate3A_48 : vector<2048x64xi32>
    %broadcast_in_dim3A_50 = arith.constant 0 : i32
    %broadcast_in_dim3A_51 = vector.broadcast %broadcast_in_dim3A_50 : i32 to vector<64x64xi32>
    %slice3A_52 = vector.extract_strided_slice %add3A_49 {offsets = [0, 0], sizes = [1984, 64], strides = [1, 1]} : vector<2048x64xi32> to vector<1984x64xi32>
    %concatenate3A_53 = tpu.concatenate %broadcast_in_dim3A_51, %slice3A_52 in 0 : vector<64x64xi32>, vector<1984x64xi32> -> vector<2048x64xi32>
    %add3A_54 = arith.addi %add3A_49, %concatenate3A_53 : vector<2048x64xi32>
    %broadcast_in_dim3A_55 = arith.constant 0 : i32
    %broadcast_in_dim3A_56 = vector.broadcast %broadcast_in_dim3A_55 : i32 to vector<128x64xi32>
    %slice3A_57 = vector.extract_strided_slice %add3A_54 {offsets = [0, 0], sizes = [1920, 64], strides = [1, 1]} : vector<2048x64xi32> to vector<1920x64xi32>
    %concatenate3A_58 = tpu.concatenate %broadcast_in_dim3A_56, %slice3A_57 in 0 : vector<128x64xi32>, vector<1920x64xi32> -> vector<2048x64xi32>
    %add3A_59 = arith.addi %add3A_54, %concatenate3A_58 : vector<2048x64xi32>
    %broadcast_in_dim3A_60 = arith.constant 0 : i32
    %broadcast_in_dim3A_61 = vector.broadcast %broadcast_in_dim3A_60 : i32 to vector<256x64xi32>
    %slice3A_62 = vector.extract_strided_slice %add3A_59 {offsets = [0, 0], sizes = [1792, 64], strides = [1, 1]} : vector<2048x64xi32> to vector<1792x64xi32>
    %concatenate3A_63 = tpu.concatenate %broadcast_in_dim3A_61, %slice3A_62 in 0 : vector<256x64xi32>, vector<1792x64xi32> -> vector<2048x64xi32>
    %add3A_64 = arith.addi %add3A_59, %concatenate3A_63 : vector<2048x64xi32>
    %broadcast_in_dim3A_65 = arith.constant 0 : i32
    %broadcast_in_dim3A_66 = vector.broadcast %broadcast_in_dim3A_65 : i32 to vector<512x64xi32>
    %slice3A_67 = vector.extract_strided_slice %add3A_64 {offsets = [0, 0], sizes = [1536, 64], strides = [1, 1]} : vector<2048x64xi32> to vector<1536x64xi32>
    %concatenate3A_68 = tpu.concatenate %broadcast_in_dim3A_66, %slice3A_67 in 0 : vector<512x64xi32>, vector<1536x64xi32> -> vector<2048x64xi32>
    %add3A_69 = arith.addi %add3A_64, %concatenate3A_68 : vector<2048x64xi32>
    %broadcast_in_dim3A_70 = arith.constant 0 : i32
    %broadcast_in_dim3A_71 = vector.broadcast %broadcast_in_dim3A_70 : i32 to vector<1024x64xi32>
    %slice3A_72 = vector.extract_strided_slice %add3A_69 {offsets = [0, 0], sizes = [1024, 64], strides = [1, 1]} : vector<2048x64xi32> to vector<1024x64xi32>
    %concatenate3A_73 = tpu.concatenate %broadcast_in_dim3A_71, %slice3A_72 in 0 : vector<1024x64xi32>, vector<1024x64xi32> -> vector<2048x64xi32>
    %add3A_74 = arith.addi %add3A_69, %concatenate3A_73 : vector<2048x64xi32>
    %mul3A = arith.muli %add3A_74, %convert_element_type3A : vector<2048x64xi32>
    %reduce_sum3A_75 = arith.constant dense<0> : vector<2048xi32>
    %reduce_sum3A_76 = vector.multi_reduction <add>, %mul3A, %reduce_sum3A_75 [1] : vector<2048x64xi32> to vector<2048xi32>
    %broadcast_in_dim3A_77 = vector.shape_cast %reduce_sum3A_76 : vector<2048xi32> to vector<2048x1xi32>
    %sub3A_78 = arith.constant 1 : i32
    %sub3A_79 = vector.broadcast %sub3A_78 : i32 to vector<2048x1xi32>
    %sub3A_80 = arith.subi %broadcast_in_dim3A_77, %sub3A_79 : vector<2048x1xi32>
    %lt3A = arith.constant 128 : i32
    %lt3A_81 = vector.broadcast %lt3A : i32 to vector<2048x1xi32>
    %lt3A_82 = arith.cmpi slt, %sub3A_80, %lt3A_81 : vector<2048x1xi32>
    %slice3A_83 = vector.extract_strided_slice %add3A_74 {offsets = [2047, 0], sizes = [1, 64], strides = [1, 1]} : vector<2048x64xi32> to vector<1x64xi32>
    %min3A = arith.constant 128 : i32
    %min3A_84 = vector.broadcast %min3A : i32 to vector<1x64xi32>
    %min3A_85 = arith.minsi %slice3A_83, %min3A_84 : vector<1x64xi32>
    %add3A_86 = arith.constant 32 : i32
    %add3A_87 = vector.broadcast %add3A_86 : i32 to vector<1x64xi32>
    %add3A_88 = arith.addi %min3A_85, %add3A_87 : vector<1x64xi32>
    %sub3A_89 = arith.constant 1 : i32
    %sub3A_90 = vector.broadcast %sub3A_89 : i32 to vector<1x64xi32>
    %sub3A_91 = arith.subi %add3A_88, %sub3A_90 : vector<1x64xi32>
    %jit3A_92 = arith.constant 32 : i32
    %div3A_93 = vector.broadcast %jit3A_92 : i32 to vector<1x64xi32>
    %div3A_94 = arith.divsi %sub3A_91, %div3A_93 : vector<1x64xi32>
    %sign3A = arith.constant 0 : i32
    %sign3A_95 = vector.broadcast %sign3A : i32 to vector<1x64xi32>
    %sign3A_96 = arith.cmpi sgt, %sub3A_91, %sign3A_95 : vector<1x64xi32>
    %sign3A_97 = arith.extui %sign3A_96 : vector<1x64xi1> to vector<1x64xi32>
    %sign3A_98 = arith.constant 0 : i32
    %sign3A_99 = vector.broadcast %sign3A_98 : i32 to vector<1x64xi32>
    %sign3A_100 = arith.cmpi slt, %sub3A_91, %sign3A_99 : vector<1x64xi32>
    %sign3A_101 = arith.extui %sign3A_100 : vector<1x64xi1> to vector<1x64xi32>
    %sign3A_102 = arith.subi %sign3A_97, %sign3A_101 : vector<1x64xi32>
    %sign3A_103 = arith.constant 0 : i32
    %sign3A_104 = arith.cmpi sgt, %jit3A_92, %sign3A_103 : i32
    %sign3A_105 = arith.extui %sign3A_104 : i1 to i32
    %sign3A_106 = arith.constant 0 : i32
    %sign3A_107 = arith.cmpi slt, %jit3A_92, %sign3A_106 : i32
    %sign3A_108 = arith.extui %sign3A_107 : i1 to i32
    %sign3A_109 = arith.subi %sign3A_105, %sign3A_108 : i32
    %ne3A = vector.broadcast %sign3A_109 : i32 to vector<1x64xi32>
    %ne3A_110 = arith.cmpi ne, %sign3A_102, %ne3A : vector<1x64xi32>
    %rem3A = vector.broadcast %jit3A_92 : i32 to vector<1x64xi32>
    %rem3A_111 = arith.remsi %sub3A_91, %rem3A : vector<1x64xi32>
    %ne3A_112 = arith.constant 0 : i32
    %ne3A_113 = vector.broadcast %ne3A_112 : i32 to vector<1x64xi32>
    %ne3A_114 = arith.cmpi ne, %rem3A_111, %ne3A_113 : vector<1x64xi32>
    %and3A = arith.andi %ne3A_110, %ne3A_114 : vector<1x64xi1>
    %sub3A_115 = arith.constant 1 : i32
    %sub3A_116 = vector.broadcast %sub3A_115 : i32 to vector<1x64xi32>
    %sub3A_117 = arith.subi %div3A_94, %sub3A_116 : vector<1x64xi32>
    %select_n3A_118 = arith.select %and3A, %sub3A_117, %div3A_94 : vector<1x64xi1>, vector<1x64xi32>
    %broadcast_in_dim3A_119 = arith.constant 0 : i32
    %broadcast_in_dim3A_120 = vector.broadcast %broadcast_in_dim3A_119 : i32 to vector<1x1xi32>
    %slice3A_121 = vector.extract_strided_slice %select_n3A_118 {offsets = [0, 0], sizes = [1, 63], strides = [1, 1]} : vector<1x64xi32> to vector<1x63xi32>
    %concatenate3A_122 = tpu.concatenate %broadcast_in_dim3A_120, %slice3A_121 in 1 : vector<1x1xi32>, vector<1x63xi32> -> vector<1x64xi32>
    %add3A_123 = arith.addi %select_n3A_118, %concatenate3A_122 : vector<1x64xi32>
    %broadcast_in_dim3A_124 = arith.constant 0 : i32
    %broadcast_in_dim3A_125 = vector.broadcast %broadcast_in_dim3A_124 : i32 to vector<1x2xi32>
    %slice3A_126 = vector.extract_strided_slice %add3A_123 {offsets = [0, 0], sizes = [1, 62], strides = [1, 1]} : vector<1x64xi32> to vector<1x62xi32>
    %concatenate3A_127 = tpu.concatenate %broadcast_in_dim3A_125, %slice3A_126 in 1 : vector<1x2xi32>, vector<1x62xi32> -> vector<1x64xi32>
    %add3A_128 = arith.addi %add3A_123, %concatenate3A_127 : vector<1x64xi32>
    %broadcast_in_dim3A_129 = arith.constant 0 : i32
    %broadcast_in_dim3A_130 = vector.broadcast %broadcast_in_dim3A_129 : i32 to vector<1x4xi32>
    %slice3A_131 = vector.extract_strided_slice %add3A_128 {offsets = [0, 0], sizes = [1, 60], strides = [1, 1]} : vector<1x64xi32> to vector<1x60xi32>
    %concatenate3A_132 = tpu.concatenate %broadcast_in_dim3A_130, %slice3A_131 in 1 : vector<1x4xi32>, vector<1x60xi32> -> vector<1x64xi32>
    %add3A_133 = arith.addi %add3A_128, %concatenate3A_132 : vector<1x64xi32>
    %broadcast_in_dim3A_134 = arith.constant 0 : i32
    %broadcast_in_dim3A_135 = vector.broadcast %broadcast_in_dim3A_134 : i32 to vector<1x8xi32>
    %slice3A_136 = vector.extract_strided_slice %add3A_133 {offsets = [0, 0], sizes = [1, 56], strides = [1, 1]} : vector<1x64xi32> to vector<1x56xi32>
    %concatenate3A_137 = tpu.concatenate %broadcast_in_dim3A_135, %slice3A_136 in 1 : vector<1x8xi32>, vector<1x56xi32> -> vector<1x64xi32>
    %add3A_138 = arith.addi %add3A_133, %concatenate3A_137 : vector<1x64xi32>
    %broadcast_in_dim3A_139 = arith.constant 0 : i32
    %broadcast_in_dim3A_140 = vector.broadcast %broadcast_in_dim3A_139 : i32 to vector<1x16xi32>
    %slice3A_141 = vector.extract_strided_slice %add3A_138 {offsets = [0, 0], sizes = [1, 48], strides = [1, 1]} : vector<1x64xi32> to vector<1x48xi32>
    %concatenate3A_142 = tpu.concatenate %broadcast_in_dim3A_140, %slice3A_141 in 1 : vector<1x16xi32>, vector<1x48xi32> -> vector<1x64xi32>
    %add3A_143 = arith.addi %add3A_138, %concatenate3A_142 : vector<1x64xi32>
    %broadcast_in_dim3A_144 = arith.constant 0 : i32
    %broadcast_in_dim3A_145 = vector.broadcast %broadcast_in_dim3A_144 : i32 to vector<1x32xi32>
    %slice3A_146 = vector.extract_strided_slice %add3A_143 {offsets = [0, 0], sizes = [1, 32], strides = [1, 1]} : vector<1x64xi32> to vector<1x32xi32>
    %concatenate3A_147 = tpu.concatenate %broadcast_in_dim3A_145, %slice3A_146 in 1 : vector<1x32xi32>, vector<1x32xi32> -> vector<1x64xi32>
    %add3A_148 = arith.addi %add3A_143, %concatenate3A_147 : vector<1x64xi32>
    %sub3A_149 = arith.subi %add3A_148, %select_n3A_118 : vector<1x64xi32>
    %mul3A_150 = arith.constant 32 : i32
    %mul3A_151 = vector.broadcast %mul3A_150 : i32 to vector<1x64xi32>
    %mul3A_152 = arith.muli %sub3A_149, %mul3A_151 : vector<1x64xi32>
    %mul3A_153 = vector.broadcast %mul3A_152 : vector<1x64xi32> to vector<2048x64xi32>
    %mul3A_154 = arith.muli %convert_element_type3A, %mul3A_153 : vector<2048x64xi32>
    %reduce_sum3A_155 = arith.constant dense<0> : vector<2048xi32>
    %reduce_sum3A_156 = vector.multi_reduction <add>, %mul3A_154, %reduce_sum3A_155 [1] : vector<2048x64xi32> to vector<2048xi32>
    %broadcast_in_dim3A_157 = vector.shape_cast %reduce_sum3A_156 : vector<2048xi32> to vector<2048x1xi32>
    %add3A_158 = arith.addi %broadcast_in_dim3A_157, %sub3A_80 : vector<2048x1xi32>
    %jit3A_159 = arith.constant 4032 : i32
    %broadcast_in_dim3A_160 = vector.broadcast %jit3A_159 : i32 to vector<2048x1xi32>
    %select_n3A_161 = arith.select %lt3A_82, %add3A_158, %broadcast_in_dim3A_160 : vector<2048x1xi1>, vector<2048x1xi32>
    %swap3A = arith.constant 0 : index
    %swap3A_162 = arith.constant 0 : index
    %swap3A_163 = vector.load %arg3[%swap3A, %swap3A_162] : memref<2048x1xi32, #tpu.memory_space<vmem>>, vector<2048x1xi32>
    tpu.vector_store %arg3[%swap3A, %swap3A_162], %select_n3A_161 {strides = array<i32>} : memref<2048x1xi32, #tpu.memory_space<vmem>>, vector<2048x1xi32>,
    %jit3A_164 = arith.constant 0.000000e+00 : f32
    %broadcast_in_dim3A_165 = vector.broadcast %jit3A_164 : f32 to vector<2048x1xf32>
    %select_n3A_166 = arith.select %lt3A_82, %div3A_15, %broadcast_in_dim3A_165 : vector<2048x1xi1>, vector<2048x1xf32>
    %swap3A_167 = arith.constant 0 : index
    %swap3A_168 = arith.constant 0 : index
    %swap3A_169 = vector.load %arg4[%swap3A_167, %swap3A_168] : memref<2048x1xf32, #tpu.memory_space<vmem>>, vector<2048x1xf32>
    tpu.vector_store %arg4[%swap3A_167, %swap3A_168], %select_n3A_166 {strides = array<i32>} : memref<2048x1xf32, #tpu.memory_space<vmem>>, vector<2048x1xf32>,
    %iota3A_170 = tpu.iota {dimensions = array<i32: 0>} : vector<128x64xi32>
    %le3A = vector.broadcast %sub3A_149 : vector<1x64xi32> to vector<128x64xi32>
    %le3A_171 = arith.cmpi sle, %le3A, %iota3A_170 : vector<128x64xi32>
    %convert_element_type3A_172 = arith.extui %le3A_171 : vector<128x64xi1> to vector<128x64xi32>
    %reduce_sum3A_173 = arith.constant dense<0> : vector<128xi32>
    %reduce_sum3A_174 = vector.multi_reduction <add>, %convert_element_type3A_172, %reduce_sum3A_173 [1] : vector<128x64xi32> to vector<128xi32>
    %broadcast_in_dim3A_175 = vector.shape_cast %reduce_sum3A_174 : vector<128xi32> to vector<128x1xi32>
    %sub3A_176 = arith.constant 1 : i32
    %sub3A_177 = vector.broadcast %sub3A_176 : i32 to vector<128x1xi32>
    %sub3A_178 = arith.subi %broadcast_in_dim3A_175, %sub3A_177 : vector<128x1xi32>
    %swap3A_179 = arith.constant 0 : index
    %swap3A_180 = arith.constant 0 : index
    %swap3A_181 = vector.load %arg5[%swap3A_179, %swap3A_180] : memref<128x1xi32, #tpu.memory_space<vmem>>, vector<128x1xi32>
    tpu.vector_store %arg5[%swap3A_179, %swap3A_180], %sub3A_178 {strides = array<i32>} : memref<128x1xi32, #tpu.memory_space<vmem>>, vector<128x1xi32>,
    return
  }
}

module attributes {stable_mosaic.version = 14 : i64} {
  func.func @_ffn_body(%arg0: i32, %arg1: memref<128xi32, #tpu.memory_space<smem>>, %arg2: memref<32x1024xf32, #tpu.memory_space<vmem>>, %arg3: memref<32x128xf32, #tpu.memory_space<vmem>>, %arg4: memref<1x1024x512xf32, #tpu.memory_space<vmem>>, %arg5: memref<1x1x512xf32, #tpu.memory_space<vmem>>, %arg6: memref<1x1024x512xf32, #tpu.memory_space<vmem>>, %arg7: memref<1x1x512xf32, #tpu.memory_space<vmem>>, %arg8: memref<1x512x1024xf32, #tpu.memory_space<vmem>>, %arg9: memref<1x1x1024xf32, #tpu.memory_space<vmem>>, %arg10: memref<32x1024xf32, #tpu.memory_space<vmem>>) attributes {dimension_semantics = [#tpu.dimension_semantics<arbitrary>], iteration_bounds = array<i64: 127>, scalar_prefetch = 1 : i64, scratch_operands = 0 : i64, tpu.core_type = #tpu.core_type<tc>, window_params = [{transform_indices = @transform_0, window_bounds = array<i64: 32, 1024>}, {transform_indices = @transform_1, window_bounds = array<i64: 32, 128>}, {transform_indices = @transform_2, window_bounds = array<i64: 1, 1024, 512>}, {transform_indices = @transform_3, window_bounds = array<i64: 1, 1, 512>}, {transform_indices = @transform_4, window_bounds = array<i64: 1, 1024, 512>}, {transform_indices = @transform_5, window_bounds = array<i64: 1, 1, 512>}, {transform_indices = @transform_6, window_bounds = array<i64: 1, 512, 1024>}, {transform_indices = @transform_7, window_bounds = array<i64: 1, 1, 1024>}, {transform_indices = @transform_8, window_bounds = array<i64: 32, 1024>}]} {
    %lt3A = arith.constant 126 : i32
    %lt3A_0 = arith.cmpi slt, %arg0, %lt3A : i32
    %convert_element_type3A = arith.extui %lt3A_0 : i1 to i32
    %cond3A = arith.constant 0 : i32
    %cond3A_1 = arith.cmpi ne, %convert_element_type3A, %cond3A : i32
    scf.if %cond3A_1 {
      %get3A = arith.constant 0 : index
      %get3A_6 = arith.constant 0 : index
      %get3A_7 = vector.load %arg2[%get3A, %get3A_6] : memref<32x1024xf32, #tpu.memory_space<vmem>>, vector<32x1024xf32>
      %get3A_8 = arith.constant 0 : index
      %get3A_9 = arith.constant 0 : index
      %get3A_10 = arith.constant 0 : index
      %get3A_11 = vector.load %arg4[%get3A_8, %get3A_9, %get3A_10] : memref<1x1024x512xf32, #tpu.memory_space<vmem>>, vector<1x1024x512xf32>
      %get3A_12 = vector.shape_cast %get3A_11 : vector<1x1024x512xf32> to vector<1024x512xf32>
      %dot_general3A = arith.constant dense<0.000000e+00> : vector<32x512xf32>
      %dot_general3A_13 = tpu.matmul %get3A_7, %get3A_12, %dot_general3A {dimension_numbers = #tpu.dot_dimension_numbers<[1], [0], [0], [1], [0, 0, 1, 1], [], []>, transpose_lhs_hint = false} : vector<32x1024xf32>, vector<1024x512xf32>, vector<32x512xf32> -> vector<32x512xf32>
      %get3A_14 = arith.constant 0 : index
      %get3A_15 = arith.constant 0 : index
      %get3A_16 = arith.constant 0 : index
      %get3A_17 = vector.load %arg5[%get3A_14, %get3A_15, %get3A_16] : memref<1x1x512xf32, #tpu.memory_space<vmem>>, vector<1x1x512xf32>
      %get3A_18 = vector.shape_cast %get3A_17 : vector<1x1x512xf32> to vector<1x512xf32>
      %add3A = vector.broadcast %get3A_18 : vector<1x512xf32> to vector<32x512xf32>
      %add3A_19 = arith.addf %dot_general3A_13, %add3A : vector<32x512xf32>
      %get3A_20 = arith.constant 0 : index
      %get3A_21 = arith.constant 0 : index
      %get3A_22 = arith.constant 0 : index
      %get3A_23 = vector.load %arg6[%get3A_20, %get3A_21, %get3A_22] : memref<1x1024x512xf32, #tpu.memory_space<vmem>>, vector<1x1024x512xf32>
      %get3A_24 = vector.shape_cast %get3A_23 : vector<1x1024x512xf32> to vector<1024x512xf32>
      %dot_general3A_25 = arith.constant dense<0.000000e+00> : vector<32x512xf32>
      %dot_general3A_26 = tpu.matmul %get3A_7, %get3A_24, %dot_general3A_25 {dimension_numbers = #tpu.dot_dimension_numbers<[1], [0], [0], [1], [0, 0, 1, 1], [], []>, transpose_lhs_hint = false} : vector<32x1024xf32>, vector<1024x512xf32>, vector<32x512xf32> -> vector<32x512xf32>
      %get3A_27 = arith.constant 0 : index
      %get3A_28 = arith.constant 0 : index
      %get3A_29 = arith.constant 0 : index
      %get3A_30 = vector.load %arg7[%get3A_27, %get3A_28, %get3A_29] : memref<1x1x512xf32, #tpu.memory_space<vmem>>, vector<1x1x512xf32>
      %get3A_31 = vector.shape_cast %get3A_30 : vector<1x1x512xf32> to vector<1x512xf32>
      %add3A_32 = vector.broadcast %get3A_31 : vector<1x512xf32> to vector<32x512xf32>
      %add3A_33 = arith.addf %dot_general3A_26, %add3A_32 : vector<32x512xf32>
      %neg3A = arith.constant 0.000000e+00 : f32
      %neg3A_34 = vector.broadcast %neg3A : f32 to vector<32x512xf32>
      %neg3A_35 = arith.subf %neg3A_34, %add3A_19 : vector<32x512xf32>
      %exp3A = math.exp %neg3A_35 : vector<32x512xf32>
      %add3A_36 = arith.constant 1.000000e+00 : f32
      %add3A_37 = vector.broadcast %add3A_36 : f32 to vector<32x512xf32>
      %add3A_38 = arith.addf %add3A_37, %exp3A : vector<32x512xf32>
      %div3A = arith.constant 1.000000e+00 : f32
      %div3A_39 = vector.broadcast %div3A : f32 to vector<32x512xf32>
      %div3A_40 = arith.divf %div3A_39, %add3A_38 : vector<32x512xf32>
      %mul3A = arith.mulf %add3A_19, %div3A_40 : vector<32x512xf32>
      %mul3A_41 = arith.mulf %mul3A, %add3A_33 : vector<32x512xf32>
      %get3A_42 = arith.constant 0 : index
      %get3A_43 = arith.constant 0 : index
      %get3A_44 = arith.constant 0 : index
      %get3A_45 = vector.load %arg8[%get3A_42, %get3A_43, %get3A_44] : memref<1x512x1024xf32, #tpu.memory_space<vmem>>, vector<1x512x1024xf32>
      %get3A_46 = vector.shape_cast %get3A_45 : vector<1x512x1024xf32> to vector<512x1024xf32>
      %dot_general3A_47 = arith.constant dense<0.000000e+00> : vector<32x1024xf32>
      %dot_general3A_48 = tpu.matmul %mul3A_41, %get3A_46, %dot_general3A_47 {dimension_numbers = #tpu.dot_dimension_numbers<[1], [0], [0], [1], [0, 0, 1, 1], [], []>, transpose_lhs_hint = false} : vector<32x512xf32>, vector<512x1024xf32>, vector<32x1024xf32> -> vector<32x1024xf32>
      %get3A_49 = arith.constant 0 : index
      %get3A_50 = arith.constant 0 : index
      %get3A_51 = arith.constant 0 : index
      %get3A_52 = vector.load %arg9[%get3A_49, %get3A_50, %get3A_51] : memref<1x1x1024xf32, #tpu.memory_space<vmem>>, vector<1x1x1024xf32>
      %get3A_53 = vector.shape_cast %get3A_52 : vector<1x1x1024xf32> to vector<1x1024xf32>
      %add3A_54 = vector.broadcast %get3A_53 : vector<1x1024xf32> to vector<32x1024xf32>
      %add3A_55 = arith.addf %dot_general3A_48, %add3A_54 : vector<32x1024xf32>
      %get3A_56 = arith.constant 0 : index
      %get3A_57 = arith.constant 0 : index
      %get3A_58 = vector.load %arg3[%get3A_56, %get3A_57] : memref<32x128xf32, #tpu.memory_space<vmem>>, vector<32x128xf32>
      %slice3A = vector.extract_strided_slice %get3A_58 {offsets = [0, 0], sizes = [32, 1], strides = [1, 1]} : vector<32x128xf32> to vector<32x1xf32>
      %mul3A_59 = vector.broadcast %slice3A : vector<32x1xf32> to vector<32x1024xf32>
      %mul3A_60 = arith.mulf %add3A_55, %mul3A_59 : vector<32x1024xf32>
      %swap3A = arith.constant 0 : index
      %swap3A_61 = arith.constant 0 : index
      %swap3A_62 = vector.load %arg10[%swap3A, %swap3A_61] : memref<32x1024xf32, #tpu.memory_space<vmem>>, vector<32x1024xf32>
      tpu.vector_store %arg10[%swap3A, %swap3A_61], %mul3A_60 {strides = array<i32>} : memref<32x1024xf32, #tpu.memory_space<vmem>>, vector<32x1024xf32>,
    } else {
    }
    %eq3A = arith.constant 126 : i32
    %eq3A_2 = arith.cmpi eq, %arg0, %eq3A : i32
    %convert_element_type3A_3 = arith.extui %eq3A_2 : i1 to i32
    %cond3A_4 = arith.constant 0 : i32
    %cond3A_5 = arith.cmpi ne, %convert_element_type3A_3, %cond3A_4 : i32
    scf.if %cond3A_5 {
      %broadcast_in_dim3A = arith.constant 0.000000e+00 : f32
      %broadcast_in_dim3A_6 = vector.broadcast %broadcast_in_dim3A : f32 to vector<32x1024xf32>
      %swap3A = arith.constant 0 : index
      %swap3A_7 = arith.constant 0 : index
      %swap3A_8 = vector.load %arg10[%swap3A, %swap3A_7] : memref<32x1024xf32, #tpu.memory_space<vmem>>, vector<32x1024xf32>
      tpu.vector_store %arg10[%swap3A, %swap3A_7], %broadcast_in_dim3A_6 {strides = array<i32>} : memref<32x1024xf32, #tpu.memory_space<vmem>>, vector<32x1024xf32>,
    } else {
    }
    return
  }
  func.func @transform_0(%arg0: i32, %arg1: memref<128xi32, #tpu.memory_space<smem>>) -> (i32, i32) {
    %c0_i32 = arith.constant 0 : i32
    %c0_i32_0 = arith.constant 0 : i32
    return %arg0, %c0_i32 : i32, i32
  }
  func.func @transform_1(%arg0: i32, %arg1: memref<128xi32, #tpu.memory_space<smem>>) -> (i32, i32) {
    %c0_i32 = arith.constant 0 : i32
    %c0_i32_0 = arith.constant 0 : i32
    return %arg0, %c0_i32 : i32, i32
  }
  func.func @transform_2(%arg0: i32, %arg1: memref<128xi32, #tpu.memory_space<smem>>) -> (i32, i32, i32) {
    %get3A = arith.index_cast %arg0 : i32 to index
    %get3A_0 = memref.load %arg1[%get3A] : memref<128xi32, #tpu.memory_space<smem>>
    %c0_i32 = arith.constant 0 : i32
    %c0_i32_1 = arith.constant 0 : i32
    %c0_i32_2 = arith.constant 0 : i32
    return %get3A_0, %c0_i32, %c0_i32_1 : i32, i32, i32
  }
  func.func @transform_3(%arg0: i32, %arg1: memref<128xi32, #tpu.memory_space<smem>>) -> (i32, i32, i32) {
    %get3A = arith.index_cast %arg0 : i32 to index
    %get3A_0 = memref.load %arg1[%get3A] : memref<128xi32, #tpu.memory_space<smem>>
    %c0_i32 = arith.constant 0 : i32
    %c0_i32_1 = arith.constant 0 : i32
    %c0_i32_2 = arith.constant 0 : i32
    return %get3A_0, %c0_i32, %c0_i32_1 : i32, i32, i32
  }
  func.func @transform_4(%arg0: i32, %arg1: memref<128xi32, #tpu.memory_space<smem>>) -> (i32, i32, i32) {
    %get3A = arith.index_cast %arg0 : i32 to index
    %get3A_0 = memref.load %arg1[%get3A] : memref<128xi32, #tpu.memory_space<smem>>
    %c0_i32 = arith.constant 0 : i32
    %c0_i32_1 = arith.constant 0 : i32
    %c0_i32_2 = arith.constant 0 : i32
    return %get3A_0, %c0_i32, %c0_i32_1 : i32, i32, i32
  }
  func.func @transform_5(%arg0: i32, %arg1: memref<128xi32, #tpu.memory_space<smem>>) -> (i32, i32, i32) {
    %get3A = arith.index_cast %arg0 : i32 to index
    %get3A_0 = memref.load %arg1[%get3A] : memref<128xi32, #tpu.memory_space<smem>>
    %c0_i32 = arith.constant 0 : i32
    %c0_i32_1 = arith.constant 0 : i32
    %c0_i32_2 = arith.constant 0 : i32
    return %get3A_0, %c0_i32, %c0_i32_1 : i32, i32, i32
  }
  func.func @transform_6(%arg0: i32, %arg1: memref<128xi32, #tpu.memory_space<smem>>) -> (i32, i32, i32) {
    %get3A = arith.index_cast %arg0 : i32 to index
    %get3A_0 = memref.load %arg1[%get3A] : memref<128xi32, #tpu.memory_space<smem>>
    %c0_i32 = arith.constant 0 : i32
    %c0_i32_1 = arith.constant 0 : i32
    %c0_i32_2 = arith.constant 0 : i32
    return %get3A_0, %c0_i32, %c0_i32_1 : i32, i32, i32
  }
  func.func @transform_7(%arg0: i32, %arg1: memref<128xi32, #tpu.memory_space<smem>>) -> (i32, i32, i32) {
    %get3A = arith.index_cast %arg0 : i32 to index
    %get3A_0 = memref.load %arg1[%get3A] : memref<128xi32, #tpu.memory_space<smem>>
    %c0_i32 = arith.constant 0 : i32
    %c0_i32_1 = arith.constant 0 : i32
    %c0_i32_2 = arith.constant 0 : i32
    return %get3A_0, %c0_i32, %c0_i32_1 : i32, i32, i32
  }
  func.func @transform_8(%arg0: i32, %arg1: memref<128xi32, #tpu.memory_space<smem>>) -> (i32, i32) {
    %c0_i32 = arith.constant 0 : i32
    %c0_i32_0 = arith.constant 0 : i32
    return %arg0, %c0_i32 : i32, i32
  }
}

</mosaic_0001>

<sc_bundles>
// kernel: kernel.6.cloned.1.call-start
scs
__scs_entry_jumppad:
0x0: {  	(pc) =	sbr.rel $0x88, $3  }
0x1: {  	(tag) =	ssettag $0x0;
	lr =	simm.s32 $0x1  }
0x2: {  	[smem:$0x3F98] =	sst lr;
	_ =	strace $0xD0000000  }
0x3: {  	_ = 	snop  }
0x4: {  	_ = 	snop  }
0x5: {  	_ = 	snop  }
0x6: {  	_ = 	snop  }
0x7: {  	_ = 	snop  }
__scs_overlays_trampoline_lowered:
0x8: {  	[smem:$0x3FA7] =	sst s0  }
0x9: {  	[smem:$0x3FA8] =	sst s1  }
0xa: {  	[smem:$0x3FA9] =	sst s2  }
0xb: {  	[smem:$0x3FAA] =	sst s3  }
0xc: {  	[smem:$0x3FAB] =	sst s4  }
0xd: {  	[smem:$0x3FAC] =	sst s5  }
0xe: {  	[smem:$0x3FAD] =	sst s6  }
0xf: {  	[smem:$0x3FAE] =	sst s7  }
0x10: {  	[smem:$0x3FAF] =	sst s8  }
0x11: {  	[smem:$0x3FB0] =	sst s9;
	s0 =	simm.s32 @!p0 $0x0  }
0x12: {  	s1 =	sld [smem:$0x3F96];
	s0 =	simm.s32 @p0 $0x1  }
0x13: {  	[smem:$0x3FB1] =	sst s0;
	s0 =	simm.s32 @!p1 $0x0  }
0x14: {  	s2 =	sld [smem:$0x3F95];
	s0 =	simm.s32 @p1 $0x1  }
0x15: {  	[smem:$0x3FB2] =	sst s0;
	s0 =	simm.s32 @!p2 $0x0  }
0x16: {  	s3 =	sld [smem:$0x3FDB];
	s0 =	simm.s32 @p2 $0x1  }
0x17: {  	s4 =	simm.s32 $0x1BF5;
	[smem:$0x3FB4] =	sst s0  }
0x18: {  	s0 =	sld [smem:$0x3F97];
	_ =	swait.ge [sflag:s4], $0x0  }
0x19: {  	s7 =	sld [smem:$0x3F98]  }
0x1a: {  	s8 =	sadd.s32 $0xFFFFE003, lr  }
0x1b: {  	s9 =	sadd.s32 $0xFFFFFEF7, lr;
	s5 =	simm.s32 $0xFFFFFFFF;
	p2 =	slt.u32 s8, $0xFFFFF086  }
0x1c: {  	p1 =	slt.u32 s9, $0xF7A;
	s5 =	simm.s32 @!p2 $0x0  }
0x1d: {  	s5 =	simm.s32 @p1 $0x1;
	p0 =	seq.s32 s7, s2  }
0x1e: {  	s7 =	smul.u32 @!p0 $0xF7A, s2;
	p2 =	seq.s32 @!p0 s5, $0x0  }
0x1f: {  	s9 =	smul.u32 $0xF7A, s1;
	s8 =	simm.s32 @!p0 $0x1BF5;
	p2 =	por !p2, p0  }
0x20: {  	[sflag:s8] =	ssyncset.s32 @!p0 $0xFFFFF086;
	s6 =	sadd.s32 @!p0 s3, s7;
	s7 =	simm.s32 @!p0 $0x108  }
0x21: {  	s3 =	sadd.s32 s3, s9;
	s6 =	sadd.s32 @!p0 $0x88, s6;
	s7 =	simm.s32 @p2 $0x1082  }
0x22: {  	[simem:s7], [sflag:s8] =	dma.local @!p0 [hbm:s6], $0xF7A  }
0x23: {  	s9 =	sor.u32 $0xD0000000, s2;
	s6 =	simm.s32 $0x108;
	_ =	swait.ge @!p0 [sflag:s8], $0x0  }
0x24: {  	s3 =	sadd.s32 $0x88, s3;
	s6 =	simm.s32 @!p1 $0x1082;
	[sflag:s4] =	ssyncset.s32 $0xFFFFF086  }
0x25: {  	[simem:s6], [sflag:s4] =	dma.local [hbm:s3], $0xF7A  }
0x26: {  	[smem:$0x3F98] =	sst s1;
	(tag) =	ssettag s2;
	_ =	strace s9  }
0x27: {  	s1 =	sld [smem:$0x3FA8]  }
0x28: {  	s2 =	sld [smem:$0x3FA9]  }
0x29: {  	s4 =	sld [smem:$0x3FAB]  }
0x2a: {  	p0 =	seq.s32 s5, $0x0;
	s5 =	sld [smem:$0x3FAC]  }
0x2b: {  	s6 =	sld [smem:$0x3FAD]  }
0x2c: {  	s7 =	sld [smem:$0x3FAE]  }
0x2d: {  	s3 =	simm.s32 $0x108;
	s8 =	sld [smem:$0x3FAF]  }
0x2e: {  	s3 =	simm.s32 @!p0 $0x1082;
	s9 =	sld [smem:$0x3FB0]  }
0x2f: {  	lr =	sadd.s32 s0, s3;
	s0 =	sld [smem:$0x3FA7]  }
0x30: {  	s3 =	sld [smem:$0x3FAA]  }
0x31: {  	[smem:$0x3FB3] =	sst s10  }
0x32: {  	s10 =	sld [smem:$0x3FB1];
	_ =	sdelay $0x3  }
0x33: {  	p0 =	seq.s32 s10, $0x1;
	s10 =	sld [smem:$0x3FB3];
	_ =	sdelay $0x3  }
0x34: {  	[smem:$0x3FB3] =	sst s10  }
0x35: {  	s10 =	sld [smem:$0x3FB2];
	_ =	sdelay $0x3  }
0x36: {  	p1 =	seq.s32 s10, $0x1;
	s10 =	sld [smem:$0x3FB3];
	_ =	sdelay $0x3  }
0x37: {  	[smem:$0x3FB3] =	sst s10  }
0x38: {  	s10 =	sld [smem:$0x3FB4]  }
0x39: {  	_ = 	snop;
	(pc) =	sbr.ind lr, $3  }
0x3a: {  	_ = 	snop  }
0x3b: {  	_ = 	snop  }
0x3c: {  	p2 =	seq.s32 s10, $0x1;
	s10 =	sld [smem:$0x3FB3]  }
0x3d: {  	_ =	shalt  }
0x3e: {  	_ =	shalt  }
0x3f: {  	_ =	shalt  }
0x40: {  	_ =	shalt  }
0x41: {  	_ =	shalt  }
0x42: {  	_ =	shalt  }
0x43: {  	_ =	shalt  }
0x44: {  	_ =	shalt  }
0x45: {  	_ =	shalt  }
0x46: {  	_ =	shalt  }
0x47: {  	_ =	shalt  }
0x48: {  	_ =	shalt  }
0x49: {  	_ =	shalt  }
0x4a: {  	_ =	shalt  }
0x4b: {  	_ =	shalt  }
0x4c: {  	_ =	shalt  }
0x4d: {  	_ =	shalt  }
0x4e: {  	_ =	shalt  }
0x4f: {  	_ =	shalt  }
0x50: {  	_ =	shalt  }
0x51: {  	_ =	shalt  }
0x52: {  	_ =	shalt  }
0x53: {  	_ =	shalt  }
0x54: {  	_ =	shalt  }
0x55: {  	_ =	shalt  }
0x56: {  	_ =	shalt  }
0x57: {  	_ =	shalt  }
0x58: {  	_ =	shalt  }
0x59: {  	_ =	shalt  }
0x5a: {  	_ =	shalt  }
0x5b: {  	_ =	shalt  }
0x5c: {  	_ =	shalt  }
0x5d: {  	_ =	shalt  }
0x5e: {  	_ =	shalt  }
0x5f: {  	_ =	shalt  }
0x60: {  	_ =	shalt  }
0x61: {  	_ =	shalt  }
0x62: {  	_ =	shalt  }
0x63: {  	_ =	shalt  }
0x64: {  	_ =	shalt  }
0x65: {  	_ =	shalt  }
0x66: {  	_ =	shalt  }
0x67: {  	_ =	shalt  }
0x68: {  	_ =	shalt  }
0x69: {  	_ =	shalt  }
0x6a: {  	_ =	shalt  }
0x6b: {  	_ =	shalt  }
0x6c: {  	_ =	shalt  }
0x6d: {  	_ =	shalt  }
0x6e: {  	_ =	shalt  }
0x6f: {  	_ =	shalt  }
0x70: {  	_ =	shalt  }
0x71: {  	_ =	shalt  }
0x72: {  	_ =	shalt  }
0x73: {  	_ =	shalt  }
0x74: {  	_ =	shalt  }
0x75: {  	_ =	shalt  }
0x76: {  	_ =	shalt  }
0x77: {  	_ =	shalt  }
0x78: {  	_ =	shalt  }
0x79: {  	_ =	shalt  }
0x7a: {  	_ =	shalt  }
0x7b: {  	_ =	shalt  }
0x7c: {  	_ =	shalt  }
0x7d: {  	_ =	shalt  }
0x7e: {  	_ =	shalt  }
0x7f: {  	_ =	shalt  }
0x80: {  	_ =	shalt  }
0x81: {  	_ =	shalt  }
0x82: {  	_ =	shalt  }
0x83: {  	_ =	shalt  }
0x84: {  	_ =	shalt  }
0x85: {  	_ =	shalt  }
0x86: {  	_ =	shalt  }
0x87: {  	_ =	shalt  }
.Lfunc_end0:
.L_simem_size_0:
called_computation_lowered:
.L_overlay_start_0:
0x88: {  	s2 =	sld [smem:$0x3FD9]  }
0x89: {  	s3 =	sld [smem:$0x3FFE];
	_ =	sdelay $0x1  }
0x8a: {  	s1 =	srdreg.scid  }
0x8b: {  	s0 =	sand.u32 $0x1, s1  }
0x8c: {  	s17 =	sshll.u32 s0, $0xA;
	s2 =	sadd.s32 s3, s2  }
0x8d: {  	s2 =	sadd.s32 s2, s17  }
0x8e: {  	[smem:$0x3FBF] =	sst s2  }
0x8f: {  	_ = 	snop  }
0x90: {  	s2 =	sld [smem:$0x3FC9]  }
0x91: {  	s18 =	sld [smem:$0x3FD0];
	(tm) =	ssettm $0x1  }
0x92: {  	s4 =	sld [smem:$0x3FFB];
	_ =	sdelay $0x3  }
0x93: {  	_ =	strace s4  }
0x94: {  	s4 =	sld [smem:$0x3FFC];
	_ =	sdelay $0x3  }
0x95: {  	_ =	strace s4  }
0x96: {  	s4 =	sld [smem:$0x3FFD];
	_ =	sdelay $0x3  }
0x97: {  	_ =	strace s4  }
0x98: {  	_ =	strace $0x8FFFFFFF  }
0x99: {  	s19 =	sld [smem:$0x3FDB];
	_ =	sdelay $0x1  }
0x9a: {  	s5 =	simm.s32 $_scs_section_size  }
0x9b: {  	s6 =	simm.s32 $_size__tile_overlayer_lowered;
	s7 =	simm.s32 $_tile_overlayer_lowered  }
0x9c: {  	s22 =	simm.s32 $0x1BFF;
	s21 =	sshll.u32 s7, $0x1;
	s4 =	sadd.s32 s5, s19  }
0x9d: {  	s8 =	simm.s32 $0x0;
	s20 =	sshll.u32 s6, $0x1;
	s6 =	sadd.s32 s21, s4  }
0x9e: {  	[timem:s8], [sflag:s22] =	dma.local [hbm:s6], s20  }
0x9f: {  	_ =	swait.ge [sflag:s22], s20  }
0xa0: {  	s5 =	ssub.s32 $0x0, s20;
	[sflag:s22] =	ssyncset.done $0x0  }
0xa1: {  	[sflag:s22] =	ssyncadd.s32 s5;
	_ =	sdelay $0x1  }
0xa2: {  	s23 =	simm.s32 $0x1B8B  }
0xa3: {  	_ =	swait.ge [sflag:s23], $0x1  }
0xa4: {  	[sflag:s23] =	ssyncset.done $0x0  }
0xa5: {  	s25 =	simm.s32 $0x1B8E;
	s24 =	sld [smem:$0x3FFE];
	[sflag:s23] =	ssyncadd.s32 $0xFFFFFFFF  }
0xa6: {  	s26 =	simm.s32 $execute0_lowered;
	[smem:$0x3FD2] =	sst s25  }
0xa7: {  	s6 =	sshll.u32 s26, $0x1;
	_ =	strace $0x80000046;
	[dreg:$0x1] =	wrdreg $0xFFFFFFFF  }
0xa8: {  	s28 =	simm.s32 $_size_execute0_lowered;
	s4 =	sadd.s32 s4, s6;
	[dreg:$0x0] =	wrdreg $0x0  }
0xa9: {  	s6 =	sshll.u32 s28, $0x1;
	[dreg:$0x2] =	wrdreg s4  }
0xaa: {  	[dreg:$0x3] =	wrdreg s6  }
0xab: {  	[dreg:$0x4] =	wrdreg $0xC0  }
0xac: {  	_ =	task [dreg:s8], $0x5FFFF  }
0xad: {  	[dreg:$0x1] =	wrdreg $0xFFFFFFFF  }
0xae: {  	[dreg:$0x0] =	wrdreg $0x60  }
0xaf: {  	[dreg:$0x2] =	wrdreg s2  }
0xb0: {  	[dreg:$0x3] =	wrdreg s24  }
0xb1: {  	[dreg:$0x4] =	wrdreg s18  }
0xb2: {  	[dreg:$0x5] =	wrdreg $0x9  }
0xb3: {  	_ =	task.clear_ibuf [dreg:s8], $0x6FFFF;
	_ =	strace $0x90000046  }
0xb4: {  	s29 =	simm.s32 $0x9;
	_ =	strace $0x80000048  }
0xb5: {  	_ =	swait.ge [sflag:s29], $0x1  }
0xb6: {  	[sflag:s29] =	ssyncadd.s32 $0xFFFFFFFF  }
0xb7: {  	_ =	strace $0x90000048  }
0xb8: {  	_ =	sfence  }
0xb9: {  	s30 =	sld [smem:$0x0];
	_ =	sdelay $0x2  }
0xba: {  	s31 =	sshll.u32 s1, $0xD;
	s1 =	sshrl.u32 s1, $0x2  }
0xbb: {  	s3 =	sand.u32 $0x4000, s31;
	s1 =	sadd.s32 s1, s30  }
0xbc: {  	s0 =	sor.u32 s3, s0;
	s1 =	sshll.u32 s1, $0x11  }
0xbd: {  	s0 =	sor.u32 s1, s0  }
0xbe: {  	s0 =	sadd.s32 $0x8F2B, s0  }
0xbf: {  	[sflag:s0] =	ssyncadd.remote.s32 $0x1  }
0xc0: {  	_ =	sfence.sel $0xFFFF  }
0xc1: {  	[dreg:$0x0] =	wrdreg $0xFFFFFFFF;
	(pc) =	sbr.abs _section_cstart, $3  }
0xc2: {  	[dreg:$0x1] =	wrdreg $0xFFFFFFFF  }
0xc3: {  	_ =	task.clear_ibuf [dreg:s8], $0x2FFFF;
	_ =	strace $0x9FFFFFFF  }
0xc4: {  	(tm) =	ssettm $0x7FFFFFFF  }
0xc5: {  	_ =	shalt  }
tec
execute0_lowered:
.L_overlay_start_1:
0x0: {  	(tag) =	ssettag $0x1  }
0x1: {  	s1 =	rddreg [dreg:$0x0]  }
0x2: {  	s6 =	rddreg [dreg:$0x1]  }
0x3: {  	s2 =	srdreg.scid;
	s10 =	rddreg [dreg:$0x2]  }
0x4: {  	s4 =	sand.u32 $0x1, s2;
	[dreg:$0x4] =	wrdreg s10;
	s2 =	simm.s32 $0x0  }
0x5: {  	s0 =	stileid.u32;
	s12 =	simm.s32 $0x10080;
	[smem:$0x7FF] =	sst s2  }
0x6: {  	s13 =	simm.s32 $0x880;
	_ =	strace $0x80000047;
	[dreg:$0x8] =	wrdreg s12  }
0x7: {  	s14 =	simm.s32 $0x1080;
	s15 =	simm.s32 $0x1880;
	[dreg:$0x9] =	wrdreg s13  }
0x8: {  	s16 =	simm.s32 $0x2080;
	s17 =	simm.s32 $0x2880;
	[dreg:$0xa] =	wrdreg s14  }
0x9: {  	s19 =	simm.s32 $0x3080;
	s21 =	simm.s32 $0x3880;
	[dreg:$0xb] =	wrdreg s15  }
0xa: {  	s22 =	simm.s32 $0x4080;
	s23 =	simm.s32 $0x4880;
	[dreg:$0xc] =	wrdreg s16  }
0xb: {  	s24 =	simm.s32 $0x5080;
	s25 =	simm.s32 $0x5880;
	[dreg:$0xd] =	wrdreg s17  }
0xc: {  	s8 =	simm.s32 $0x2;
	s26 =	simm.s32 $0x6080;
	[dreg:$0xe] =	wrdreg s19  }
0xd: {  	s9 =	simm.s32 $0x80;
	s28 =	simm.s32 $0xF080;
	[dreg:$0xf] =	wrdreg s21  }
0xe: {  	s29 =	simm.s32 $0xF880;
	s30 =	simm.s32 $0x1;
	[dreg:$0x10] =	wrdreg s22  }
0xf: {  	s31 =	simm.s32 $0x40;
	s3 =	sshll.u32 s0, $0x7;
	[dreg:$0x11] =	wrdreg s23  }
0x10: {  	s5 =	sshll.u32 s4, $0x6;
	s4 =	ssub.s32 $0x2, s4;
	[dreg:$0x12] =	wrdreg s24  }
0x11: {  	s3 =	sor.u32 s5, s3;
	s18 =	sshrl.u32 s4, $0x1;
	[dreg:$0x13] =	wrdreg s25  }
0x12: {  	[dreg:$0x14] =	wrdreg s26;
	s12 =	simm.s32 $0x7880;
	s13 =	simm.s32 $0x8080  }
0x13: {  	s14 =	simm.s32 $0x8880;
	s15 =	simm.s32 $0x9080;
	s16 =	simm.s32 $0x9880  }
0x14: {  	s17 =	simm.s32 $0xA080;
	s19 =	simm.s32 $0xB080;
	s21 =	simm.s32 $0xC080  }
0x15: {  	s22 =	simm.s32 $0xC880;
	s23 =	simm.s32 $0xD080;
	s24 =	simm.s32 $0xD880  }
0x16: {  	s25 =	simm.s32 $0xE080;
	s26 =	simm.s32 $0xE880;
	s5 =	sshrl.u32 s3, $0x3  }
0x17: {  	s3 =	sshll.u32 s3, $0x7;
	s20 =	ssub.s32 s4, s18;
	s4 =	sadd.s32 $0x1100, s6  }
0x18: {  	s18 =	simm.s32 $0xA880;
	s5 =	sadd.s32 s5, s6;
	s1 =	sadd.s32 s1, s3  }
0x19: {  	s3 =	sadd.s32 $0x1000, s6;
	s7 =	sadd.s32 $0xC00, s5;
	[dreg:$0x6] =	wrdreg s1  }
0x1a: {  	v2 =	vlaneseq.u32;
	s11 =	sadd.s32 $0xE00, s5;
	s5 =	sadd.s32 $0x1200, s6;
	[dreg:$0x5] =	wrdreg s7  }
0x1b: {  	vm0 =	vmmov $0xffff;
	v1 =	vshrl.u32 v2, $0x3;
	s6 =	sadd.s32 $0x1300, s6;
	s1 =	simm.s32 $0x10100;
	[dreg:$0x7] =	wrdreg s11  }
0x1c: {  	v0 =	vand.u32 $0x7, v2;
	v2 =	vor.u32 $0x8, v2;
	v1 =	vmul.u32 $0x8, v1;
	s7 =	smax.u32 s20, $0x1;
	s11 =	simm.s32 $0x7080;
	s20 =	simm.s32 $0xB880  }
.LBB2_1:
0x1d: {  	s0 =	rddreg [dreg:$0x5]  }
0x1e: {  	[tilespmem:s2], [sflag:$0x2] =	stream.linear.gather [hbm4b:s0+s2], $0x40, $0x38;
	[tilespmem:$0x12100] =	vst v63  }
0x1f: {  	_ =	swait.ge [sflag:s8], $0x40  }
0x20: {  	[sflag:s8] =	ssyncset.done $0x0  }
0x21: {  	s10 =	rddreg [dreg:$0x6];
	[sflag:s8] =	ssyncadd.s32 $0xFFFFFFC0  }
0x22: {  	[tilespmem:s9], [sflag:$0x2] =	stream.linear.gather [hbm4b:s10+s2], $0x10000, $0x38;
	[tilespmem:$0x12100] =	vst v63  }
0x23: {  	_ =	swait.ge [sflag:s8], $0x10000  }
0x24: {  	s0 =	rddreg [dreg:$0x7];
	[sflag:s8] =	ssyncset.done $0x0  }
0x25: {  	s10 =	rddreg [dreg:$0x8];
	[sflag:s8] =	ssyncadd.s32 $0xFFFF0000  }
0x26: {  	[tilespmem:s10], [sflag:$0x2] =	stream.linear.gather [hbm4b:s0+s2], $0x40, $0x38;
	[tilespmem:$0x12100] =	vst v63  }
0x27: {  	_ =	swait.ge [sflag:s8], $0x40  }
0x28: {  	[sflag:s8] =	ssyncset.done $0x0  }
0x29: {  	[sflag:s8] =	ssyncadd.s32 $0xFFFFFFC0  }
0x2a: {  	v3 =	vld [tilespmem:$0x0];
	_ =	sdelay $0x4  }
0x2b: {  	v4 =	vshll.u32 v3, $0x3  }
0x2c: {  	v3 =	vand.u32 $0x7, v3;
	v4 =	vand.u32 $0xFFFFFFC0, v4  }
0x2d: {  	v3 =	vor.u32 v3, v4  }
0x2e: {  	v4 =	vperm.xlane v3, v0;
	_ =	sdelay $0x1  }
0x2f: {  	v4 =	vadd.s32 v1, v4;
	_ =	sdelay $0x4  }
0x30: {  	[hbm4b:s3+s2] =	stream.indirect_vreg.scatter [tilespmem:s9], [sflag:$0x1], $0x80, v4, vm0, $0xb8;
	[tilespmem:$0x12100] =	vst v63  }
0x31: {  	s0 =	rddreg [dreg:$0x9];
	v3 =	vperm.xlane v3, v2  }
0x32: {  	[hbm4b:s4+s2] =	stream.indirect_vreg.scatter [tilespmem:s0], [sflag:$0x1], $0x80, v4, vm0, $0xb8;
	[tilespmem:$0x12100] =	vst v63  }
0x33: {  	s10 =	rddreg [dreg:$0xa];
	v3 =	vadd.s32 v1, v3  }
0x34: {  	[hbm4b:s5+s2] =	stream.indirect_vreg.scatter [tilespmem:s10], [sflag:$0x1], $0x80, v4, vm0, $0xb8;
	[tilespmem:$0x12100] =	vst v63  }
0x35: {  	s0 =	rddreg [dreg:$0xb]  }
0x36: {  	[hbm4b:s6+s2] =	stream.indirect_vreg.scatter [tilespmem:s0], [sflag:$0x1], $0x80, v4, vm0, $0xb8;
	[tilespmem:$0x12100] =	vst v63  }
0x37: {  	s10 =	rddreg [dreg:$0xc]  }
0x38: {  	[hbm4b:s3+s2] =	stream.indirect_vreg.scatter [tilespmem:s10], [sflag:$0x1], $0x80, v3, vm0, $0xb8;
	[tilespmem:$0x12100] =	vst v63  }
0x39: {  	s0 =	rddreg [dreg:$0xd]  }
0x3a: {  	[hbm4b:s4+s2] =	stream.indirect_vreg.scatter [tilespmem:s0], [sflag:$0x1], $0x80, v3, vm0, $0xb8;
	[tilespmem:$0x12100] =	vst v63  }
0x3b: {  	s10 =	rddreg [dreg:$0xe]  }
0x3c: {  	[hbm4b:s5+s2] =	stream.indirect_vreg.scatter [tilespmem:s10], [sflag:$0x1], $0x80, v3, vm0, $0xb8;
	[tilespmem:$0x12100] =	vst v63  }
0x3d: {  	s0 =	rddreg [dreg:$0xf]  }
0x3e: {  	[hbm4b:s6+s2] =	stream.indirect_vreg.scatter [tilespmem:s0], [sflag:$0x1], $0x80, v3, vm0, $0xb8;
	[tilespmem:$0x12100] =	vst v63  }
0x3f: {  	v3 =	vld [tilespmem:$0x10];
	_ =	sdelay $0x4  }
0x40: {  	v21 =	vshll.u32 v3, $0x3  }
0x41: {  	v3 =	vand.u32 $0x7, v3;
	v4 =	vand.u32 $0xFFFFFFC0, v21  }
0x42: {  	v3 =	vor.u32 v3, v4  }
0x43: {  	v4 =	vperm.xlane v3, v0;
	_ =	sdelay $0x1  }
0x44: {  	v4 =	vadd.s32 v1, v4;
	_ =	sdelay $0x3  }
0x45: {  	s0 =	rddreg [dreg:$0x10]  }
0x46: {  	[hbm4b:s3+s2] =	stream.indirect_vreg.scatter [tilespmem:s0], [sflag:$0x1], $0x80, v4, vm0, $0xb8;
	[tilespmem:$0x12100] =	vst v63  }
0x47: {  	s10 =	rddreg [dreg:$0x11];
	v3 =	vperm.xlane v3, v2  }
0x48: {  	[hbm4b:s4+s2] =	stream.indirect_vreg.scatter [tilespmem:s10], [sflag:$0x1], $0x80, v4, vm0, $0xb8;
	[tilespmem:$0x12100] =	vst v63  }
0x49: {  	v3 =	vadd.s32 v1, v3;
	s0 =	rddreg [dreg:$0x12]  }
0x4a: {  	[hbm4b:s5+s2] =	stream.indirect_vreg.scatter [tilespmem:s0], [sflag:$0x1], $0x80, v4, vm0, $0xb8;
	[tilespmem:$0x12100] =	vst v63  }
0x4b: {  	s10 =	rddreg [dreg:$0x13]  }
0x4c: {  	[hbm4b:s6+s2] =	stream.indirect_vreg.scatter [tilespmem:s10], [sflag:$0x1], $0x80, v4, vm0, $0xb8;
	[tilespmem:$0x12100] =	vst v63  }
0x4d: {  	s0 =	rddreg [dreg:$0x14]  }
0x4e: {  	[hbm4b:s3+s2] =	stream.indirect_vreg.scatter [tilespmem:s0], [sflag:$0x1], $0x80, v3, vm0, $0xb8;
	[tilespmem:$0x12100] =	vst v63  }
0x4f: {  	s10 =	simm.s32 $0x6880  }
0x50: {  	[hbm4b:s4+s2] =	stream.indirect_vreg.scatter [tilespmem:s10], [sflag:$0x1], $0x80, v3, vm0, $0xb8;
	[tilespmem:$0x12100] =	vst v63  }
0x51: {  	_ = 	snop  }
0x52: {  	[hbm4b:s5+s2] =	stream.indirect_vreg.scatter [tilespmem:s11], [sflag:$0x1], $0x80, v3, vm0, $0xb8;
	[tilespmem:$0x12100] =	vst v63  }
0x53: {  	_ = 	snop  }
0x54: {  	[hbm4b:s6+s2] =	stream.indirect_vreg.scatter [tilespmem:s12], [sflag:$0x1], $0x80, v3, vm0, $0xb8;
	[tilespmem:$0x12100] =	vst v63  }
0x55: {  	v3 =	vld [tilespmem:$0x20];
	_ =	sdelay $0x4  }
0x56: {  	v22 =	vshll.u32 v3, $0x3  }
0x57: {  	v3 =	vand.u32 $0x7, v3;
	v4 =	vand.u32 $0xFFFFFFC0, v22  }
0x58: {  	v3 =	vor.u32 v3, v4  }
0x59: {  	v4 =	vperm.xlane v3, v0;
	_ =	sdelay $0x1  }
0x5a: {  	v4 =	vadd.s32 v1, v4;
	_ =	sdelay $0x4  }
0x5b: {  	[hbm4b:s3+s2] =	stream.indirect_vreg.scatter [tilespmem:s13], [sflag:$0x1], $0x80, v4, vm0, $0xb8;
	[tilespmem:$0x12100] =	vst v63  }
0x5c: {  	v3 =	vperm.xlane v3, v2  }
0x5d: {  	[hbm4b:s4+s2] =	stream.indirect_vreg.scatter [tilespmem:s14], [sflag:$0x1], $0x80, v4, vm0, $0xb8;
	[tilespmem:$0x12100] =	vst v63  }
0x5e: {  	v3 =	vadd.s32 v1, v3  }
0x5f: {  	[hbm4b:s5+s2] =	stream.indirect_vreg.scatter [tilespmem:s15], [sflag:$0x1], $0x80, v4, vm0, $0xb8;
	[tilespmem:$0x12100] =	vst v63  }
0x60: {  	_ = 	snop  }
0x61: {  	[hbm4b:s6+s2] =	stream.indirect_vreg.scatter [tilespmem:s16], [sflag:$0x1], $0x80, v4, vm0, $0xb8;
	[tilespmem:$0x12100] =	vst v63  }
0x62: {  	_ = 	snop  }
0x63: {  	[hbm4b:s3+s2] =	stream.indirect_vreg.scatter [tilespmem:s17], [sflag:$0x1], $0x80, v3, vm0, $0xb8;
	[tilespmem:$0x12100] =	vst v63  }
0x64: {  	_ = 	snop  }
0x65: {  	[hbm4b:s4+s2] =	stream.indirect_vreg.scatter [tilespmem:s18], [sflag:$0x1], $0x80, v3, vm0, $0xb8;
	[tilespmem:$0x12100] =	vst v63  }
0x66: {  	_ = 	snop  }
0x67: {  	[hbm4b:s5+s2] =	stream.indirect_vreg.scatter [tilespmem:s19], [sflag:$0x1], $0x80, v3, vm0, $0xb8;
	[tilespmem:$0x12100] =	vst v63  }
0x68: {  	_ = 	snop  }
0x69: {  	[hbm4b:s6+s2] =	stream.indirect_vreg.scatter [tilespmem:s20], [sflag:$0x1], $0x80, v3, vm0, $0xb8;
	[tilespmem:$0x12100] =	vst v63  }
0x6a: {  	v3 =	vld [tilespmem:$0x30];
	_ =	sdelay $0x4  }
0x6b: {  	v23 =	vshll.u32 v3, $0x3  }
0x6c: {  	v3 =	vand.u32 $0x7, v3;
	v4 =	vand.u32 $0xFFFFFFC0, v23  }
0x6d: {  	v3 =	vor.u32 v3, v4  }
0x6e: {  	v4 =	vperm.xlane v3, v0;
	_ =	sdelay $0x1  }
0x6f: {  	v4 =	vadd.s32 v1, v4;
	_ =	sdelay $0x4  }
0x70: {  	[hbm4b:s3+s2] =	stream.indirect_vreg.scatter [tilespmem:s21], [sflag:$0x1], $0x80, v4, vm0, $0xb8;
	[tilespmem:$0x12100] =	vst v63  }
0x71: {  	v3 =	vperm.xlane v3, v2  }
0x72: {  	[hbm4b:s4+s2] =	stream.indirect_vreg.scatter [tilespmem:s22], [sflag:$0x1], $0x80, v4, vm0, $0xb8;
	[tilespmem:$0x12100] =	vst v63  }
0x73: {  	v3 =	vadd.s32 v1, v3  }
0x74: {  	[hbm4b:s5+s2] =	stream.indirect_vreg.scatter [tilespmem:s23], [sflag:$0x1], $0x80, v4, vm0, $0xb8;
	[tilespmem:$0x12100] =	vst v63  }
0x75: {  	_ = 	snop  }
0x76: {  	[hbm4b:s6+s2] =	stream.indirect_vreg.scatter [tilespmem:s24], [sflag:$0x1], $0x80, v4, vm0, $0xb8;
	[tilespmem:$0x12100] =	vst v63  }
0x77: {  	_ = 	snop  }
0x78: {  	[hbm4b:s3+s2] =	stream.indirect_vreg.scatter [tilespmem:s25], [sflag:$0x1], $0x80, v3, vm0, $0xb8;
	[tilespmem:$0x12100] =	vst v63  }
0x79: {  	_ = 	snop  }
0x7a: {  	[hbm4b:s4+s2] =	stream.indirect_vreg.scatter [tilespmem:s26], [sflag:$0x1], $0x80, v3, vm0, $0xb8;
	[tilespmem:$0x12100] =	vst v63  }
0x7b: {  	_ = 	snop  }
0x7c: {  	[hbm4b:s5+s2] =	stream.indirect_vreg.scatter [tilespmem:s28], [sflag:$0x1], $0x80, v3, vm0, $0xb8;
	[tilespmem:$0x12100] =	vst v63  }
0x7d: {  	_ = 	snop  }
0x7e: {  	[hbm4b:s6+s2] =	stream.indirect_vreg.scatter [tilespmem:s29], [sflag:$0x1], $0x80, v3, vm0, $0xb8;
	[tilespmem:$0x12100] =	vst v63  }
0x7f: {  	v3 =	vld [tilespmem:$0x10080];
	_ =	sdelay $0x4  }
0x80: {  	v24 =	vbroadcast v3, $0x0  }
0x81: {  	v5 =	vbroadcast v3, $0x1  }
0x82: {  	v25 =	vbroadcast v3, $0x2;
	[tilespmem:$0x10100] =	vst v24  }
0x83: {  	v26 =	vbroadcast v3, $0x3;
	[tilespmem:$0x10180] =	vst v5  }
0x84: {  	v27 =	vbroadcast v3, $0x4;
	[tilespmem:$0x10200] =	vst v25  }
0x85: {  	v28 =	vbroadcast v3, $0x5;
	[tilespmem:$0x10280] =	vst v26  }
0x86: {  	v29 =	vbroadcast v3, $0x6;
	[tilespmem:$0x10300] =	vst v27  }
0x87: {  	v30 =	vbroadcast v3, $0x7;
	[tilespmem:$0x10380] =	vst v28  }
0x88: {  	v31 =	vbroadcast v3, $0x8;
	[tilespmem:$0x10400] =	vst v29  }
0x89: {  	v32 =	vbroadcast v3, $0x9;
	[tilespmem:$0x10480] =	vst v30  }
0x8a: {  	v33 =	vbroadcast v3, $0xA;
	[tilespmem:$0x10500] =	vst v31  }
0x8b: {  	v6 =	vld [tilespmem:$0x10090];
	v34 =	vbroadcast v3, $0xB;
	[tilespmem:$0x10580] =	vst v32  }
0x8c: {  	v35 =	vbroadcast v3, $0xC;
	[tilespmem:$0x10600] =	vst v33  }
0x8d: {  	v36 =	vbroadcast v3, $0xD;
	[tilespmem:$0x10680] =	vst v34  }
0x8e: {  	v37 =	vbroadcast v3, $0xE;
	[tilespmem:$0x10700] =	vst v35  }
0x8f: {  	v3 =	vbroadcast v3, $0xF;
	[tilespmem:$0x10780] =	vst v36  }
0x90: {  	v38 =	vbroadcast v6, $0x0;
	[tilespmem:$0x10800] =	vst v37  }
0x91: {  	[tilespmem:$0x10880] =	vst v3;
	v3 =	vbroadcast v6, $0x1  }
0x92: {  	v39 =	vbroadcast v6, $0x2;
	[tilespmem:$0x10900] =	vst v38  }
0x93: {  	[tilespmem:$0x10980] =	vst v3;
	v3 =	vbroadcast v6, $0x3  }
0x94: {  	v40 =	vbroadcast v6, $0x4;
	[tilespmem:$0x10A00] =	vst v39  }
0x95: {  	[tilespmem:$0x10A80] =	vst v3;
	v3 =	vbroadcast v6, $0x5  }
0x96: {  	v41 =	vbroadcast v6, $0x6;
	[tilespmem:$0x10B00] =	vst v40  }
0x97: {  	[tilespmem:$0x10B80] =	vst v3;
	v3 =	vbroadcast v6, $0x7  }
0x98: {  	v42 =	vbroadcast v6, $0x8;
	[tilespmem:$0x10C00] =	vst v41  }
0x99: {  	[tilespmem:$0x10C80] =	vst v3;
	v3 =	vbroadcast v6, $0x9  }
0x9a: {  	v43 =	vbroadcast v6, $0xA;
	[tilespmem:$0x10D00] =	vst v42  }
0x9b: {  	v44 =	vld [tilespmem:$0x100A0];
	[tilespmem:$0x10D80] =	vst v3;
	v3 =	vbroadcast v6, $0xB  }
0x9c: {  	v45 =	vbroadcast v6, $0xC;
	[tilespmem:$0x10E00] =	vst v43  }
0x9d: {  	[tilespmem:$0x10E80] =	vst v3;
	v3 =	vbroadcast v6, $0xD  }
0x9e: {  	v46 =	vbroadcast v6, $0xE;
	[tilespmem:$0x10F00] =	vst v45  }
0x9f: {  	[tilespmem:$0x10F80] =	vst v3;
	v3 =	vbroadcast v6, $0xF  }
0xa0: {  	v47 =	vbroadcast v44, $0x0;
	[tilespmem:$0x11000] =	vst v46  }
0xa1: {  	[tilespmem:$0x11080] =	vst v3;
	v3 =	vbroadcast v44, $0x1  }
0xa2: {  	v48 =	vbroadcast v44, $0x2;
	[tilespmem:$0x11100] =	vst v47  }
0xa3: {  	[tilespmem:$0x11180] =	vst v3;
	v3 =	vbroadcast v44, $0x3  }
0xa4: {  	v49 =	vbroadcast v44, $0x4;
	[tilespmem:$0x11200] =	vst v48  }
0xa5: {  	[tilespmem:$0x11280] =	vst v3;
	v3 =	vbroadcast v44, $0x5  }
0xa6: {  	v50 =	vbroadcast v44, $0x6;
	[tilespmem:$0x11300] =	vst v49  }
0xa7: {  	[tilespmem:$0x11380] =	vst v3;
	v3 =	vbroadcast v44, $0x7  }
0xa8: {  	v51 =	vbroadcast v44, $0x8;
	[tilespmem:$0x11400] =	vst v50  }
0xa9: {  	[tilespmem:$0x11480] =	vst v3;
	v3 =	vbroadcast v44, $0x9  }
0xaa: {  	v52 =	vbroadcast v44, $0xA;
	[tilespmem:$0x11500] =	vst v51  }
0xab: {  	v53 =	vld [tilespmem:$0x100B0];
	[tilespmem:$0x11580] =	vst v3;
	v3 =	vbroadcast v44, $0xB  }
0xac: {  	v54 =	vbroadcast v44, $0xC;
	[tilespmem:$0x11600] =	vst v52  }
0xad: {  	[tilespmem:$0x11680] =	vst v3;
	v3 =	vbroadcast v44, $0xD  }
0xae: {  	v55 =	vbroadcast v44, $0xE;
	[tilespmem:$0x11700] =	vst v54  }
0xaf: {  	[tilespmem:$0x11780] =	vst v3;
	v3 =	vbroadcast v44, $0xF  }
0xb0: {  	v56 =	vbroadcast v53, $0x0;
	[tilespmem:$0x11800] =	vst v55  }
0xb1: {  	[tilespmem:$0x11880] =	vst v3;
	v3 =	vbroadcast v53, $0x1  }
0xb2: {  	v57 =	vbroadcast v53, $0x2;
	[tilespmem:$0x11900] =	vst v56  }
0xb3: {  	[tilespmem:$0x11980] =	vst v3;
	v3 =	vbroadcast v53, $0x3  }
0xb4: {  	v58 =	vbroadcast v53, $0x4;
	[tilespmem:$0x11A00] =	vst v57  }
0xb5: {  	[tilespmem:$0x11A80] =	vst v3;
	v3 =	vbroadcast v53, $0x5  }
0xb6: {  	v59 =	vbroadcast v53, $0x6;
	[tilespmem:$0x11B00] =	vst v58  }
0xb7: {  	[tilespmem:$0x11B80] =	vst v3;
	v3 =	vbroadcast v53, $0x7  }
0xb8: {  	v60 =	vbroadcast v53, $0x8;
	[tilespmem:$0x11C00] =	vst v59  }
0xb9: {  	[tilespmem:$0x11C80] =	vst v3;
	v3 =	vbroadcast v53, $0x9  }
0xba: {  	v61 =	vbroadcast v53, $0xA;
	[tilespmem:$0x11D00] =	vst v60  }
0xbb: {  	[tilespmem:$0x11D80] =	vst v3;
	v3 =	vbroadcast v53, $0xB  }
0xbc: {  	v62 =	vbroadcast v53, $0xC;
	[tilespmem:$0x11E00] =	vst v61  }
0xbd: {  	[tilespmem:$0x11E80] =	vst v3;
	v3 =	vbroadcast v53, $0xD  }
0xbe: {  	v63 =	vbroadcast v53, $0xE;
	[tilespmem:$0x11F00] =	vst v62  }
0xbf: {  	[tilespmem:$0x11F80] =	vst v3;
	v3 =	vbroadcast v53, $0xF  }
0xc0: {  	[tilespmem:$0x12000] =	vst v63  }
0xc1: {  	[tilespmem:$0x12080] =	vst v3  }
0xc2: {  	_ =	swait.ge [sflag:s30], $0x10000  }
0xc3: {  	p0 =	sne.s32 s7, $0x1;
	[sflag:s30] =	ssyncset.done $0x0  }
.Ltmp0:
0xc4: {  	s10 =	rddreg [dreg:$0x4];
	[sflag:s30] =	ssyncadd.s32 $0xFFFF0000;
	(pc) =	sbr.rel @p0 .LBB2_1-.Ltmp0, $4  }
0xc5: {  	[hbm4b:s10+s31] =	stream.indirect.scatter [tilespmem:s1], [sflag:$0x1], $0x80, s2, s31, $0xb8;
	[tilespmem:$0x12100] =	vst v63  }
0xc6: {  	_ =	swait.ge [sflag:s30], $0x2000  }
0xc7: {  	[sflag:s30] =	ssyncset.done $0x0  }
0xc8: {  	s7 =	sadd.s32 $0xFFFFFFFF, s7;
	[sflag:s30] =	ssyncadd.s32 $0xFFFFE000  }
0xc9: {  	_ =	sfence.sel $0x180000  }
0xca: {  	[bflag:$0x0] =	sbarrier.arrive $0xFFFF  }
0xcb: {  	_ =	strace $0x90000047  }
0xcc: {  	s0 =	stileid.u32;
	[bflag:$0x2] =	sbarrier.arrive $0xFFFF  }
0xcd: {  	p0 =	sne.s32 s0, $0x0;
	s0 =	rddreg [dreg:$0x3]  }
0xce: {  	s0 =	sadd.s32 @!p0 $0x100000, s0  }
0xcf: {  	[sflag:s0] =	ssyncadd.tile.s32 @!p0 $0x1;
	_ =	shalt  }
.Lfunc_end2:
_tile_overlayer_lowered:
.L_overlay_start_2:
0xd0: {  	(tag) =	ssettag $0x2  }
0xd1: {  	s0 =	rddreg [dreg:$0x0];
	s2 =	stileid.u32  }
0xd2: {  	s1 =	rddreg [dreg:$0x1];
	p0 =	sne.s32 s2, $0x0  }
0xd3: {  	s3 =	rddreg [dreg:$0x2];
	[bflag:$0x3] =	sbarrier.arrive $0xFFFF;
	s2 =	simm.s32 @!p0 $0x1C02  }
0xd4: {  	[timem:s3], [sflag:s2] =	dma.local @!p0 [hbm:s0], s1  }
0xd5: {  	s0 =	simm.s32 @!p0 $0x2  }
0xd6: {  	_ =	swait.ge @!p0 [sflag:s0], s1  }
0xd7: {  	s1 =	ssub.s32 @!p0 $0x0, s1;
	[sflag:s0] =	ssyncset.done @!p0 $0x0  }
0xd8: {  	[sflag:s0] =	ssyncadd.s32 @!p0 s1  }
0xd9: {  	[bflag:$0x3] =	sbarrier.arrive $0xFFFF  }
0xda: {  	_ =	shalt  }

// kernel: kernel.9.cloned.1.call-start
scs
__scs_entry_jumppad:
0x0: {  	(pc) =	sbr.rel $0x88, $3  }
0x1: {  	(tag) =	ssettag $0x0;
	lr =	simm.s32 $0x1  }
0x2: {  	[smem:$0x3F98] =	sst lr;
	_ =	strace $0xD0000000  }
0x3: {  	_ = 	snop  }
0x4: {  	_ = 	snop  }
0x5: {  	_ = 	snop  }
0x6: {  	_ = 	snop  }
0x7: {  	_ = 	snop  }
__scs_overlays_trampoline_lowered:
0x8: {  	[smem:$0x3FA7] =	sst s0  }
0x9: {  	[smem:$0x3FA8] =	sst s1  }
0xa: {  	[smem:$0x3FA9] =	sst s2  }
0xb: {  	[smem:$0x3FAA] =	sst s3  }
0xc: {  	[smem:$0x3FAB] =	sst s4  }
0xd: {  	[smem:$0x3FAC] =	sst s5  }
0xe: {  	[smem:$0x3FAD] =	sst s6  }
0xf: {  	[smem:$0x3FAE] =	sst s7  }
0x10: {  	[smem:$0x3FAF] =	sst s8  }
0x11: {  	[smem:$0x3FB0] =	sst s9;
	s0 =	simm.s32 @!p0 $0x0  }
0x12: {  	s1 =	sld [smem:$0x3F96];
	s0 =	simm.s32 @p0 $0x1  }
0x13: {  	[smem:$0x3FB1] =	sst s0;
	s0 =	simm.s32 @!p1 $0x0  }
0x14: {  	s2 =	sld [smem:$0x3F95];
	s0 =	simm.s32 @p1 $0x1  }
0x15: {  	[smem:$0x3FB2] =	sst s0;
	s0 =	simm.s32 @!p2 $0x0  }
0x16: {  	s3 =	sld [smem:$0x3FDB];
	s0 =	simm.s32 @p2 $0x1  }
0x17: {  	s4 =	simm.s32 $0x1BF5;
	[smem:$0x3FB4] =	sst s0  }
0x18: {  	s0 =	sld [smem:$0x3F97];
	_ =	swait.ge [sflag:s4], $0x0  }
0x19: {  	s7 =	sld [smem:$0x3F98]  }
0x1a: {  	s8 =	sadd.s32 $0xFFFFE003, lr  }
0x1b: {  	s9 =	sadd.s32 $0xFFFFFEF7, lr;
	s5 =	simm.s32 $0xFFFFFFFF;
	p2 =	slt.u32 s8, $0xFFFFF086  }
0x1c: {  	p1 =	slt.u32 s9, $0xF7A;
	s5 =	simm.s32 @!p2 $0x0  }
0x1d: {  	s5 =	simm.s32 @p1 $0x1;
	p0 =	seq.s32 s7, s2  }
0x1e: {  	s7 =	smul.u32 @!p0 $0xF7A, s2;
	p2 =	seq.s32 @!p0 s5, $0x0  }
0x1f: {  	s9 =	smul.u32 $0xF7A, s1;
	s8 =	simm.s32 @!p0 $0x1BF5;
	p2 =	por !p2, p0  }
0x20: {  	[sflag:s8] =	ssyncset.s32 @!p0 $0xFFFFF086;
	s6 =	sadd.s32 @!p0 s3, s7;
	s7 =	simm.s32 @!p0 $0x108  }
0x21: {  	s3 =	sadd.s32 s3, s9;
	s6 =	sadd.s32 @!p0 $0x88, s6;
	s7 =	simm.s32 @p2 $0x1082  }
0x22: {  	[simem:s7], [sflag:s8] =	dma.local @!p0 [hbm:s6], $0xF7A  }
0x23: {  	s9 =	sor.u32 $0xD0000000, s2;
	s6 =	simm.s32 $0x108;
	_ =	swait.ge @!p0 [sflag:s8], $0x0  }
0x24: {  	s3 =	sadd.s32 $0x88, s3;
	s6 =	simm.s32 @!p1 $0x1082;
	[sflag:s4] =	ssyncset.s32 $0xFFFFF086  }
0x25: {  	[simem:s6], [sflag:s4] =	dma.local [hbm:s3], $0xF7A  }
0x26: {  	[smem:$0x3F98] =	sst s1;
	(tag) =	ssettag s2;
	_ =	strace s9  }
0x27: {  	s1 =	sld [smem:$0x3FA8]  }
0x28: {  	s2 =	sld [smem:$0x3FA9]  }
0x29: {  	s4 =	sld [smem:$0x3FAB]  }
0x2a: {  	p0 =	seq.s32 s5, $0x0;
	s5 =	sld [smem:$0x3FAC]  }
0x2b: {  	s6 =	sld [smem:$0x3FAD]  }
0x2c: {  	s7 =	sld [smem:$0x3FAE]  }
0x2d: {  	s3 =	simm.s32 $0x108;
	s8 =	sld [smem:$0x3FAF]  }
0x2e: {  	s3 =	simm.s32 @!p0 $0x1082;
	s9 =	sld [smem:$0x3FB0]  }
0x2f: {  	lr =	sadd.s32 s0, s3;
	s0 =	sld [smem:$0x3FA7]  }
0x30: {  	s3 =	sld [smem:$0x3FAA]  }
0x31: {  	[smem:$0x3FB3] =	sst s10  }
0x32: {  	s10 =	sld [smem:$0x3FB1];
	_ =	sdelay $0x3  }
0x33: {  	p0 =	seq.s32 s10, $0x1;
	s10 =	sld [smem:$0x3FB3];
	_ =	sdelay $0x3  }
0x34: {  	[smem:$0x3FB3] =	sst s10  }
0x35: {  	s10 =	sld [smem:$0x3FB2];
	_ =	sdelay $0x3  }
0x36: {  	p1 =	seq.s32 s10, $0x1;
	s10 =	sld [smem:$0x3FB3];
	_ =	sdelay $0x3  }
0x37: {  	[smem:$0x3FB3] =	sst s10  }
0x38: {  	s10 =	sld [smem:$0x3FB4]  }
0x39: {  	_ = 	snop;
	(pc) =	sbr.ind lr, $3  }
0x3a: {  	_ = 	snop  }
0x3b: {  	_ = 	snop  }
0x3c: {  	p2 =	seq.s32 s10, $0x1;
	s10 =	sld [smem:$0x3FB3]  }
0x3d: {  	_ =	shalt  }
0x3e: {  	_ =	shalt  }
0x3f: {  	_ =	shalt  }
0x40: {  	_ =	shalt  }
0x41: {  	_ =	shalt  }
0x42: {  	_ =	shalt  }
0x43: {  	_ =	shalt  }
0x44: {  	_ =	shalt  }
0x45: {  	_ =	shalt  }
0x46: {  	_ =	shalt  }
0x47: {  	_ =	shalt  }
0x48: {  	_ =	shalt  }
0x49: {  	_ =	shalt  }
0x4a: {  	_ =	shalt  }
0x4b: {  	_ =	shalt  }
0x4c: {  	_ =	shalt  }
0x4d: {  	_ =	shalt  }
0x4e: {  	_ =	shalt  }
0x4f: {  	_ =	shalt  }
0x50: {  	_ =	shalt  }
0x51: {  	_ =	shalt  }
0x52: {  	_ =	shalt  }
0x53: {  	_ =	shalt  }
0x54: {  	_ =	shalt  }
0x55: {  	_ =	shalt  }
0x56: {  	_ =	shalt  }
0x57: {  	_ =	shalt  }
0x58: {  	_ =	shalt  }
0x59: {  	_ =	shalt  }
0x5a: {  	_ =	shalt  }
0x5b: {  	_ =	shalt  }
0x5c: {  	_ =	shalt  }
0x5d: {  	_ =	shalt  }
0x5e: {  	_ =	shalt  }
0x5f: {  	_ =	shalt  }
0x60: {  	_ =	shalt  }
0x61: {  	_ =	shalt  }
0x62: {  	_ =	shalt  }
0x63: {  	_ =	shalt  }
0x64: {  	_ =	shalt  }
0x65: {  	_ =	shalt  }
0x66: {  	_ =	shalt  }
0x67: {  	_ =	shalt  }
0x68: {  	_ =	shalt  }
0x69: {  	_ =	shalt  }
0x6a: {  	_ =	shalt  }
0x6b: {  	_ =	shalt  }
0x6c: {  	_ =	shalt  }
0x6d: {  	_ =	shalt  }
0x6e: {  	_ =	shalt  }
0x6f: {  	_ =	shalt  }
0x70: {  	_ =	shalt  }
0x71: {  	_ =	shalt  }
0x72: {  	_ =	shalt  }
0x73: {  	_ =	shalt  }
0x74: {  	_ =	shalt  }
0x75: {  	_ =	shalt  }
0x76: {  	_ =	shalt  }
0x77: {  	_ =	shalt  }
0x78: {  	_ =	shalt  }
0x79: {  	_ =	shalt  }
0x7a: {  	_ =	shalt  }
0x7b: {  	_ =	shalt  }
0x7c: {  	_ =	shalt  }
0x7d: {  	_ =	shalt  }
0x7e: {  	_ =	shalt  }
0x7f: {  	_ =	shalt  }
0x80: {  	_ =	shalt  }
0x81: {  	_ =	shalt  }
0x82: {  	_ =	shalt  }
0x83: {  	_ =	shalt  }
0x84: {  	_ =	shalt  }
0x85: {  	_ =	shalt  }
0x86: {  	_ =	shalt  }
0x87: {  	_ =	shalt  }
.Lfunc_end0:
.L_simem_size_0:
called_computation.1_lowered:
.L_overlay_start_0:
0x88: {  	s2 =	sld [smem:$0x3FD9]  }
0x89: {  	s3 =	sld [smem:$0x3FFE];
	_ =	sdelay $0x1  }
0x8a: {  	s1 =	srdreg.scid  }
0x8b: {  	s0 =	sand.u32 $0x1, s1  }
0x8c: {  	s17 =	sshll.u32 s0, $0xA;
	s2 =	sadd.s32 s3, s2  }
0x8d: {  	s2 =	sadd.s32 s2, s17  }
0x8e: {  	[smem:$0x3FBF] =	sst s2  }
0x8f: {  	_ = 	snop  }
0x90: {  	s2 =	sld [smem:$0x3FD0];
	(tm) =	ssettm $0x1  }
0x91: {  	s18 =	sld [smem:$0x3FFB];
	_ =	sdelay $0x3  }
0x92: {  	_ =	strace s18  }
0x93: {  	s3 =	sld [smem:$0x3FFC];
	_ =	sdelay $0x3  }
0x94: {  	_ =	strace s3  }
0x95: {  	s3 =	sld [smem:$0x3FFD];
	_ =	sdelay $0x3  }
0x96: {  	_ =	strace s3  }
0x97: {  	_ =	strace $0x8FFFFFFF  }
0x98: {  	s19 =	sld [smem:$0x3FDB];
	_ =	sdelay $0x1  }
0x99: {  	s4 =	simm.s32 $_scs_section_size  }
0x9a: {  	s5 =	simm.s32 $_size__tile_overlayer_lowered;
	s6 =	simm.s32 $_tile_overlayer_lowered  }
0x9b: {  	s22 =	simm.s32 $0x1BFF;
	s21 =	sshll.u32 s6, $0x1;
	s3 =	sadd.s32 s4, s19  }
0x9c: {  	s7 =	simm.s32 $0x0;
	s20 =	sshll.u32 s5, $0x1;
	s5 =	sadd.s32 s21, s3  }
0x9d: {  	[timem:s7], [sflag:s22] =	dma.local [hbm:s5], s20  }
0x9e: {  	_ =	swait.ge [sflag:s22], s20  }
0x9f: {  	s4 =	ssub.s32 $0x0, s20;
	[sflag:s22] =	ssyncset.done $0x0  }
0xa0: {  	[sflag:s22] =	ssyncadd.s32 s4;
	_ =	sdelay $0x1  }
0xa1: {  	s23 =	simm.s32 $0x1B8B  }
0xa2: {  	_ =	swait.ge [sflag:s23], $0x1  }
0xa3: {  	[sflag:s23] =	ssyncset.done $0x0  }
0xa4: {  	s25 =	simm.s32 $0x1B8E;
	s24 =	sld [smem:$0x3FFE];
	[sflag:s23] =	ssyncadd.s32 $0xFFFFFFFF  }
0xa5: {  	s26 =	simm.s32 $execute0_lowered;
	[smem:$0x3FD2] =	sst s25  }
0xa6: {  	s5 =	sshll.u32 s26, $0x1;
	_ =	strace $0x80000049;
	[dreg:$0x1] =	wrdreg $0xFFFFFFFF  }
0xa7: {  	s28 =	simm.s32 $_size_execute0_lowered;
	s3 =	sadd.s32 s3, s5;
	[dreg:$0x0] =	wrdreg $0x0  }
0xa8: {  	s5 =	sshll.u32 s28, $0x1;
	[dreg:$0x2] =	wrdreg s3  }
0xa9: {  	[dreg:$0x3] =	wrdreg s5  }
0xaa: {  	[dreg:$0x4] =	wrdreg $0xC0  }
0xab: {  	_ =	task [dreg:s7], $0x5FFFF  }
0xac: {  	[dreg:$0x1] =	wrdreg $0xFFFFFFFF  }
0xad: {  	[dreg:$0x0] =	wrdreg $0x60  }
0xae: {  	[dreg:$0x2] =	wrdreg s24  }
0xaf: {  	[dreg:$0x3] =	wrdreg s2  }
0xb0: {  	[dreg:$0x4] =	wrdreg $0x9  }
0xb1: {  	_ =	task.clear_ibuf [dreg:s7], $0x5FFFF;
	_ =	strace $0x90000049  }
0xb2: {  	s29 =	simm.s32 $0x9;
	_ =	strace $0x8000004B  }
0xb3: {  	_ =	swait.ge [sflag:s29], $0x1  }
0xb4: {  	[sflag:s29] =	ssyncadd.s32 $0xFFFFFFFF  }
0xb5: {  	_ =	strace $0x9000004B  }
0xb6: {  	_ =	sfence  }
0xb7: {  	s30 =	sld [smem:$0x0];
	_ =	sdelay $0x2  }
0xb8: {  	s31 =	sshll.u32 s1, $0xD;
	s1 =	sshrl.u32 s1, $0x2  }
0xb9: {  	s3 =	sand.u32 $0x4000, s31;
	s1 =	sadd.s32 s1, s30  }
0xba: {  	s0 =	sor.u32 s3, s0;
	s1 =	sshll.u32 s1, $0x11  }
0xbb: {  	s0 =	sor.u32 s1, s0  }
0xbc: {  	s0 =	sadd.s32 $0x8F2B, s0  }
0xbd: {  	[sflag:s0] =	ssyncadd.remote.s32 $0x1  }
0xbe: {  	_ =	sfence.sel $0xFFFF  }
0xbf: {  	[dreg:$0x0] =	wrdreg $0xFFFFFFFF;
	(pc) =	sbr.abs _section_cstart, $3  }
0xc0: {  	[dreg:$0x1] =	wrdreg $0xFFFFFFFF  }
0xc1: {  	_ =	task.clear_ibuf [dreg:s7], $0x2FFFF;
	_ =	strace $0x9FFFFFFF  }
0xc2: {  	(tm) =	ssettm $0x7FFFFFFF  }
0xc3: {  	_ =	shalt  }
tec
execute0_lowered:
.L_overlay_start_1:
0x0: {  	(tag) =	ssettag $0x1  }
0x1: {  	s1 =	srdreg.scid  }
0x2: {  	s0 =	stileid.u32;
	s6 =	rddreg [dreg:$0x0]  }
0x3: {  	s4 =	rddreg [dreg:$0x1];
	s18 =	simm.s32 $0x880;
	s19 =	simm.s32 $0x1080  }
0x4: {  	s20 =	simm.s32 $0x1880;
	s22 =	simm.s32 $0x2080;
	s23 =	simm.s32 $0x2880  }
0x5: {  	s7 =	simm.s32 $0x3080;
	s24 =	simm.s32 $0x3880;
	s8 =	simm.s32 $0x4080  }
0x6: {  	s25 =	simm.s32 $0x4880;
	s26 =	simm.s32 $0x5080;
	s1 =	sand.u32 $0x1, s1  }
0x7: {  	s9 =	simm.s32 $0x80;
	s2 =	sshll.u32 s0, $0x7;
	s3 =	sshll.u32 s1, $0x6  }
0x8: {  	s11 =	simm.s32 $0x6080;
	s3 =	sor.u32 s3, s2;
	s2 =	simm.s32 $0x0  }
0x9: {  	s12 =	simm.s32 $0x6880;
	s13 =	simm.s32 $0x7080;
	[smem:$0x7FF] =	sst s2  }
0xa: {  	s14 =	simm.s32 $0x7880;
	_ =	strace $0x8000004A;
	[dreg:$0x5] =	wrdreg s18  }
0xb: {  	s15 =	simm.s32 $0x8080;
	s16 =	simm.s32 $0x8880;
	[dreg:$0x6] =	wrdreg s19  }
0xc: {  	s17 =	simm.s32 $0x9080;
	s28 =	simm.s32 $0xE080;
	[dreg:$0x7] =	wrdreg s20  }
0xd: {  	s29 =	simm.s32 $0xE880;
	s30 =	simm.s32 $0xF080;
	[dreg:$0x8] =	wrdreg s22  }
0xe: {  	s31 =	simm.s32 $0xF880;
	s1 =	ssub.s32 $0x2, s1;
	[dreg:$0x9] =	wrdreg s23  }
0xf: {  	s21 =	sshrl.u32 s1, $0x1;
	s5 =	sshrl.u32 s3, $0x3;
	[dreg:$0xa] =	wrdreg s7  }
0x10: {  	s3 =	sshll.u32 s3, $0x7;
	s1 =	ssub.s32 s1, s21;
	[dreg:$0xb] =	wrdreg s24  }
0x11: {  	s21 =	simm.s32 $0xB080;
	s5 =	sadd.s32 s5, s6;
	[dreg:$0xc] =	wrdreg s8  }
0x12: {  	s3 =	sadd.s32 s4, s3;
	s4 =	sadd.s32 $0xF00, s6;
	[dreg:$0xd] =	wrdreg s25  }
0x13: {  	s7 =	smax.u32 s1, $0x1;
	s8 =	simm.s32 $0x2;
	[dreg:$0xe] =	wrdreg s26  }
0x14: {  	s18 =	simm.s32 $0x9880;
	s19 =	simm.s32 $0xA080;
	s20 =	simm.s32 $0xA880  }
0x15: {  	s22 =	simm.s32 $0xB880;
	s23 =	simm.s32 $0xC080;
	s24 =	simm.s32 $0xC880  }
0x16: {  	v2 =	vlaneseq.u32;
	s25 =	simm.s32 $0xD080;
	s26 =	simm.s32 $0xD880;
	s1 =	simm.s32 $0x1  }
0x17: {  	vm0 =	vmmov $0xffff;
	v1 =	vshrl.u32 v2, $0x3;
	s5 =	sadd.s32 $0xC00, s5;
	[dreg:$0x4] =	wrdreg s3;
	s3 =	sadd.s32 $0xE00, s6  }
0x18: {  	v0 =	vand.u32 $0x7, v2;
	v2 =	vor.u32 $0x8, v2;
	v1 =	vmul.u32 $0x8, v1;
	[dreg:$0x3] =	wrdreg s5;
	s5 =	sadd.s32 $0x1000, s6;
	s6 =	sadd.s32 $0x1100, s6  }
.LBB2_1:
0x19: {  	s0 =	rddreg [dreg:$0x3]  }
0x1a: {  	[tilespmem:s2], [sflag:$0x2] =	stream.linear.gather [hbm4b:s0+s2], $0x40, $0x38;
	[tilespmem:$0x10080] =	vst v63  }
0x1b: {  	_ =	swait.ge [sflag:s8], $0x40  }
0x1c: {  	[sflag:s8] =	ssyncset.done $0x0  }
0x1d: {  	[sflag:s8] =	ssyncadd.s32 $0xFFFFFFC0  }
0x1e: {  	v3 =	vld [tilespmem:$0x0];
	_ =	sdelay $0x4  }
0x1f: {  	v4 =	vshll.u32 v3, $0x3  }
0x20: {  	v3 =	vand.u32 $0x7, v3;
	v4 =	vand.u32 $0xFFFFFFC0, v4  }
0x21: {  	v3 =	vor.u32 v3, v4  }
0x22: {  	v4 =	vperm.xlane v3, v0;
	_ =	sdelay $0x1  }
0x23: {  	v4 =	vadd.s32 v1, v4;
	_ =	sdelay $0x4  }
0x24: {  	[tilespmem:s9], [sflag:$0x1] =	stream.indirect_vreg.gather [hbm4b:s3+s2], $0x80, v4, vm0, $0xb8;
	[tilespmem:$0x10080] =	vst v63  }
0x25: {  	s0 =	rddreg [dreg:$0x5];
	v3 =	vperm.xlane v3, v2  }
0x26: {  	[tilespmem:s0], [sflag:$0x1] =	stream.indirect_vreg.gather [hbm4b:s4+s2], $0x80, v4, vm0, $0xb8;
	[tilespmem:$0x10080] =	vst v63  }
0x27: {  	s10 =	rddreg [dreg:$0x6];
	v3 =	vadd.s32 v1, v3  }
0x28: {  	[tilespmem:s10], [sflag:$0x1] =	stream.indirect_vreg.gather [hbm4b:s5+s2], $0x80, v4, vm0, $0xb8;
	[tilespmem:$0x10080] =	vst v63  }
0x29: {  	s0 =	rddreg [dreg:$0x7]  }
0x2a: {  	[tilespmem:s0], [sflag:$0x1] =	stream.indirect_vreg.gather [hbm4b:s6+s2], $0x80, v4, vm0, $0xb8;
	[tilespmem:$0x10080] =	vst v63  }
0x2b: {  	s10 =	rddreg [dreg:$0x8]  }
0x2c: {  	[tilespmem:s10], [sflag:$0x1] =	stream.indirect_vreg.gather [hbm4b:s3+s2], $0x80, v3, vm0, $0xb8;
	[tilespmem:$0x10080] =	vst v63  }
0x2d: {  	s0 =	rddreg [dreg:$0x9]  }
0x2e: {  	[tilespmem:s0], [sflag:$0x1] =	stream.indirect_vreg.gather [hbm4b:s4+s2], $0x80, v3, vm0, $0xb8;
	[tilespmem:$0x10080] =	vst v63  }
0x2f: {  	s10 =	rddreg [dreg:$0xa]  }
0x30: {  	[tilespmem:s10], [sflag:$0x1] =	stream.indirect_vreg.gather [hbm4b:s5+s2], $0x80, v3, vm0, $0xb8;
	[tilespmem:$0x10080] =	vst v63  }
0x31: {  	s0 =	rddreg [dreg:$0xb]  }
0x32: {  	[tilespmem:s0], [sflag:$0x1] =	stream.indirect_vreg.gather [hbm4b:s6+s2], $0x80, v3, vm0, $0xb8;
	[tilespmem:$0x10080] =	vst v63  }
0x33: {  	v3 =	vld [tilespmem:$0x10];
	_ =	sdelay $0x4  }
0x34: {  	v61 =	vshll.u32 v3, $0x3  }
0x35: {  	v3 =	vand.u32 $0x7, v3;
	v4 =	vand.u32 $0xFFFFFFC0, v61  }
0x36: {  	v3 =	vor.u32 v3, v4  }
0x37: {  	v4 =	vperm.xlane v3, v0;
	_ =	sdelay $0x1  }
0x38: {  	v4 =	vadd.s32 v1, v4;
	_ =	sdelay $0x3  }
0x39: {  	s0 =	rddreg [dreg:$0xc]  }
0x3a: {  	[tilespmem:s0], [sflag:$0x1] =	stream.indirect_vreg.gather [hbm4b:s3+s2], $0x80, v4, vm0, $0xb8;
	[tilespmem:$0x10080] =	vst v63  }
0x3b: {  	s10 =	rddreg [dreg:$0xd];
	v3 =	vperm.xlane v3, v2  }
0x3c: {  	[tilespmem:s10], [sflag:$0x1] =	stream.indirect_vreg.gather [hbm4b:s4+s2], $0x80, v4, vm0, $0xb8;
	[tilespmem:$0x10080] =	vst v63  }
0x3d: {  	v3 =	vadd.s32 v1, v3;
	s0 =	rddreg [dreg:$0xe]  }
0x3e: {  	[tilespmem:s0], [sflag:$0x1] =	stream.indirect_vreg.gather [hbm4b:s5+s2], $0x80, v4, vm0, $0xb8;
	[tilespmem:$0x10080] =	vst v63  }
0x3f: {  	s10 =	simm.s32 $0x5880  }
0x40: {  	[tilespmem:s10], [sflag:$0x1] =	stream.indirect_vreg.gather [hbm4b:s6+s2], $0x80, v4, vm0, $0xb8;
	[tilespmem:$0x10080] =	vst v63  }
0x41: {  	_ = 	snop  }
0x42: {  	[tilespmem:s11], [sflag:$0x1] =	stream.indirect_vreg.gather [hbm4b:s3+s2], $0x80, v3, vm0, $0xb8;
	[tilespmem:$0x10080] =	vst v63  }
0x43: {  	_ = 	snop  }
0x44: {  	[tilespmem:s12], [sflag:$0x1] =	stream.indirect_vreg.gather [hbm4b:s4+s2], $0x80, v3, vm0, $0xb8;
	[tilespmem:$0x10080] =	vst v63  }
0x45: {  	_ = 	snop  }
0x46: {  	[tilespmem:s13], [sflag:$0x1] =	stream.indirect_vreg.gather [hbm4b:s5+s2], $0x80, v3, vm0, $0xb8;
	[tilespmem:$0x10080] =	vst v63  }
0x47: {  	_ = 	snop  }
0x48: {  	[tilespmem:s14], [sflag:$0x1] =	stream.indirect_vreg.gather [hbm4b:s6+s2], $0x80, v3, vm0, $0xb8;
	[tilespmem:$0x10080] =	vst v63  }
0x49: {  	v3 =	vld [tilespmem:$0x20];
	_ =	sdelay $0x4  }
0x4a: {  	v62 =	vshll.u32 v3, $0x3  }
0x4b: {  	v3 =	vand.u32 $0x7, v3;
	v4 =	vand.u32 $0xFFFFFFC0, v62  }
0x4c: {  	v3 =	vor.u32 v3, v4  }
0x4d: {  	v4 =	vperm.xlane v3, v0;
	_ =	sdelay $0x1  }
0x4e: {  	v4 =	vadd.s32 v1, v4;
	_ =	sdelay $0x4  }
0x4f: {  	[tilespmem:s15], [sflag:$0x1] =	stream.indirect_vreg.gather [hbm4b:s3+s2], $0x80, v4, vm0, $0xb8;
	[tilespmem:$0x10080] =	vst v63  }
0x50: {  	v3 =	vperm.xlane v3, v2  }
0x51: {  	[tilespmem:s16], [sflag:$0x1] =	stream.indirect_vreg.gather [hbm4b:s4+s2], $0x80, v4, vm0, $0xb8;
	[tilespmem:$0x10080] =	vst v63  }
0x52: {  	v3 =	vadd.s32 v1, v3  }
0x53: {  	[tilespmem:s17], [sflag:$0x1] =	stream.indirect_vreg.gather [hbm4b:s5+s2], $0x80, v4, vm0, $0xb8;
	[tilespmem:$0x10080] =	vst v63  }
0x54: {  	_ = 	snop  }
0x55: {  	[tilespmem:s18], [sflag:$0x1] =	stream.indirect_vreg.gather [hbm4b:s6+s2], $0x80, v4, vm0, $0xb8;
	[tilespmem:$0x10080] =	vst v63  }
0x56: {  	_ = 	snop  }
0x57: {  	[tilespmem:s19], [sflag:$0x1] =	stream.indirect_vreg.gather [hbm4b:s3+s2], $0x80, v3, vm0, $0xb8;
	[tilespmem:$0x10080] =	vst v63  }
0x58: {  	_ = 	snop  }
0x59: {  	[tilespmem:s20], [sflag:$0x1] =	stream.indirect_vreg.gather [hbm4b:s4+s2], $0x80, v3, vm0, $0xb8;
	[tilespmem:$0x10080] =	vst v63  }
0x5a: {  	_ = 	snop  }
0x5b: {  	[tilespmem:s21], [sflag:$0x1] =	stream.indirect_vreg.gather [hbm4b:s5+s2], $0x80, v3, vm0, $0xb8;
	[tilespmem:$0x10080] =	vst v63  }
0x5c: {  	_ = 	snop  }
0x5d: {  	[tilespmem:s22], [sflag:$0x1] =	stream.indirect_vreg.gather [hbm4b:s6+s2], $0x80, v3, vm0, $0xb8;
	[tilespmem:$0x10080] =	vst v63  }
0x5e: {  	v3 =	vld [tilespmem:$0x30];
	_ =	sdelay $0x4  }
0x5f: {  	v63 =	vshll.u32 v3, $0x3  }
0x60: {  	v3 =	vand.u32 $0x7, v3;
	v4 =	vand.u32 $0xFFFFFFC0, v63  }
0x61: {  	v3 =	vor.u32 v3, v4  }
0x62: {  	v4 =	vperm.xlane v3, v0;
	_ =	sdelay $0x1  }
0x63: {  	v4 =	vadd.s32 v1, v4;
	_ =	sdelay $0x4  }
0x64: {  	[tilespmem:s23], [sflag:$0x1] =	stream.indirect_vreg.gather [hbm4b:s3+s2], $0x80, v4, vm0, $0xb8;
	[tilespmem:$0x10080] =	vst v63  }
0x65: {  	v3 =	vperm.xlane v3, v2  }
0x66: {  	[tilespmem:s24], [sflag:$0x1] =	stream.indirect_vreg.gather [hbm4b:s4+s2], $0x80, v4, vm0, $0xb8;
	[tilespmem:$0x10080] =	vst v63  }
0x67: {  	v3 =	vadd.s32 v1, v3  }
0x68: {  	[tilespmem:s25], [sflag:$0x1] =	stream.indirect_vreg.gather [hbm4b:s5+s2], $0x80, v4, vm0, $0xb8;
	[tilespmem:$0x10080] =	vst v63  }
0x69: {  	_ = 	snop  }
0x6a: {  	[tilespmem:s26], [sflag:$0x1] =	stream.indirect_vreg.gather [hbm4b:s6+s2], $0x80, v4, vm0, $0xb8;
	[tilespmem:$0x10080] =	vst v63  }
0x6b: {  	_ = 	snop  }
0x6c: {  	[tilespmem:s28], [sflag:$0x1] =	stream.indirect_vreg.gather [hbm4b:s3+s2], $0x80, v3, vm0, $0xb8;
	[tilespmem:$0x10080] =	vst v63  }
0x6d: {  	_ = 	snop  }
0x6e: {  	[tilespmem:s29], [sflag:$0x1] =	stream.indirect_vreg.gather [hbm4b:s4+s2], $0x80, v3, vm0, $0xb8;
	[tilespmem:$0x10080] =	vst v63  }
0x6f: {  	_ = 	snop  }
0x70: {  	[tilespmem:s30], [sflag:$0x1] =	stream.indirect_vreg.gather [hbm4b:s5+s2], $0x80, v3, vm0, $0xb8;
	[tilespmem:$0x10080] =	vst v63  }
0x71: {  	_ = 	snop  }
0x72: {  	[tilespmem:s31], [sflag:$0x1] =	stream.indirect_vreg.gather [hbm4b:s6+s2], $0x80, v3, vm0, $0xb8;
	[tilespmem:$0x10080] =	vst v63  }
0x73: {  	_ =	swait.ge [sflag:s1], $0x10000  }
0x74: {  	p0 =	sne.s32 s7, $0x1;
	[sflag:s1] =	ssyncset.done $0x0  }
.Ltmp0:
0x75: {  	s10 =	rddreg [dreg:$0x4];
	[sflag:s1] =	ssyncadd.s32 $0xFFFF0000;
	(pc) =	sbr.rel @p0 .LBB2_1-.Ltmp0, $4  }
0x76: {  	[hbm4b:s10+s2] =	stream.linear.scatter [tilespmem:s9], [sflag:$0x2], $0x10000, $0x38;
	[tilespmem:$0x10080] =	vst v63  }
0x77: {  	_ =	swait.ge [sflag:s8], $0x10000  }
0x78: {  	[sflag:s8] =	ssyncset.done $0x0  }
0x79: {  	s7 =	sadd.s32 $0xFFFFFFFF, s7;
	[sflag:s8] =	ssyncadd.s32 $0xFFFF0000  }
0x7a: {  	_ =	sfence.sel $0x180000  }
0x7b: {  	[bflag:$0x0] =	sbarrier.arrive $0xFFFF  }
0x7c: {  	_ =	strace $0x9000004A  }
0x7d: {  	s0 =	stileid.u32;
	[bflag:$0x2] =	sbarrier.arrive $0xFFFF  }
0x7e: {  	p0 =	sne.s32 s0, $0x0;
	s0 =	rddreg [dreg:$0x2]  }
0x7f: {  	s0 =	sadd.s32 @!p0 $0x100000, s0  }
0x80: {  	[sflag:s0] =	ssyncadd.tile.s32 @!p0 $0x1;
	_ =	shalt  }
.Lfunc_end2:
_tile_overlayer_lowered:
.L_overlay_start_2:
0x81: {  	(tag) =	ssettag $0x2  }
0x82: {  	s0 =	rddreg [dreg:$0x0];
	s2 =	stileid.u32  }
0x83: {  	s1 =	rddreg [dreg:$0x1];
	p0 =	sne.s32 s2, $0x0  }
0x84: {  	s3 =	rddreg [dreg:$0x2];
	[bflag:$0x3] =	sbarrier.arrive $0xFFFF;
	s2 =	simm.s32 @!p0 $0x1C02  }
0x85: {  	[timem:s3], [sflag:s2] =	dma.local @!p0 [hbm:s0], s1  }
0x86: {  	s0 =	simm.s32 @!p0 $0x2  }
0x87: {  	_ =	swait.ge @!p0 [sflag:s0], s1  }
0x88: {  	s1 =	ssub.s32 @!p0 $0x0, s1;
	[sflag:s0] =	ssyncset.done @!p0 $0x0  }
0x89: {  	[sflag:s0] =	ssyncadd.s32 @!p0 s1  }
0x8a: {  	[bflag:$0x3] =	sbarrier.arrive $0xFFFF  }
0x8b: {  	_ =	shalt  }

</sc_bundles>
